<compile_context>
chip_gen: v7x
topology: tpu7x:2x2x1
jax: 0.10.2.dev20260603
libtpu: 0.0.44.dev20260713+nightly
codegen_flags: <defaults>
</compile_context>

<pallas_src>
import functools

import jax
import jax.numpy as jnp
from jax import lax
from jax.experimental import pallas as pl
from jax.experimental.pallas import tpu as pltpu
from jax.experimental.pallas import tpu_sc as plsc

_NN = 100000
_NE = 1600000
_NG = 256
_DN = 128
_DE = 32
_DO = 64

_NW = 32
_C = 640
_CR = _C // 4
_NCH = _NE // _C
_TRIP2 = 40
_GRP = _C // 16

_sc_mesh = plsc.VectorSubcoreMesh(core_axis_name="c", subcore_axis_name="s")


@functools.partial(
    pl.kernel,
    mesh=_sc_mesh,
    compiler_params=pltpu.CompilerParams(needs_layout_passes=False),
    out_type=jax.ShapeDtypeStruct((_NW, _NG * _DE), jnp.float32),
    scratch_types=[
        pltpu.VMEM((_NN // 4,), jnp.int32),
        pltpu.VMEM((_C,), jnp.int32),
        pltpu.VMEM((_C,), jnp.int32),
        pltpu.VMEM((_CR, 128), jnp.float32),
        pltpu.VMEM((_CR, 128), jnp.float32),
        pltpu.VMEM((_NG * _DE,), jnp.float32),
        pltpu.SemaphoreType.DMA,
        pltpu.SemaphoreType.DMA,
    ],
)
def _edge_agg(col_hbm, ea_hbm, batch_hbm, out_hbm, batch_v, col_b0, col_b1,
              ea_b0, ea_b1, acc_v, sem0, sem1):
    wid = lax.axis_index("s") * 2 + lax.axis_index("c")
    pltpu.sync_copy(batch_hbm, batch_v)

    zeros = jnp.zeros((16,), jnp.float32)

    def zero_body(z, carry):
        acc_v[pl.ds(z * 16, 16)] = zeros
        return carry

    lax.fori_loop(0, _NG * _DE // 16, zero_body, 0)

    iota = lax.iota(jnp.int32, 16)

    def _descs(local, colb, eab, sem):
        k = local * _NW + wid
        dc = pltpu.make_async_copy(col_hbm.at[pl.ds(k * _C, _C)], colb, sem)
        de = pltpu.make_async_copy(ea_hbm.at[pl.ds(k * _CR, _CR), :], eab,
                                   sem)
        return k, dc, de

    def start(local, colb, eab, sem):
        k, dc, de = _descs(local, colb, eab, sem)

        @pl.when(k < _NCH)
        def _():
            dc.start()
            de.start()

    def process(local, colb, eab, sem, nxt):
        k, dc, de = _descs(local, colb, eab, sem)

        @pl.when(k < _NCH)
        def _():
            dc.wait()
            de.wait()
            start(*nxt)

            def grp_body(g, c2):
                cv = colb[pl.ds(g * 16, 16)]
                word = plsc.load_gather(batch_v, [cv >> 2])
                gv = ((word >> ((cv & 3) << 3)) & 255) * _DE
                for j in range(16):
                    row = gv[j]
                    r = g * 4 + j // 4
                    c0 = (j % 4) * 32
                    v0 = eab[r, pl.ds(c0, 16)]
                    v1 = eab[r, pl.ds(c0 + 16, 16)]
                    plsc.addupdate_scatter(acc_v, [row + iota], v0)
                    plsc.addupdate_scatter(acc_v, [row + (iota + 16)], v1)
                return c2

            lax.fori_loop(0, _GRP, grp_body, 0)

    start(0, col_b0, ea_b0, sem0)

    def body2(i2, carry):
        l0 = i2 * 2
        process(l0, col_b0, ea_b0, sem0, (l0 + 1, col_b1, ea_b1, sem1))
        process(l0 + 1, col_b1, ea_b1, sem1, (l0 + 2, col_b0, ea_b0, sem0))
        return carry

    lax.fori_loop(0, _TRIP2, body2, 0)
    pltpu.sync_copy(acc_v, out_hbm.at[wid])


_R = 2000
_NS = _NN // _R


def _node_body(b_ref, x_ref, o_ref, acc_ref):
    s = pl.program_id(0)

    @pl.when(s == 0)
    def _():
        acc_ref[...] = jnp.zeros_like(acc_ref)

    bt = b_ref[0, 0, :]
    onehot = (lax.broadcasted_iota(jnp.int32, (_NG, _R), 0)
              == bt[None, :]).astype(jnp.float32)
    acc_ref[...] += jnp.dot(onehot, x_ref[...],
                            preferred_element_type=jnp.float32)

    @pl.when(s == _NS - 1)
    def _():
        o_ref[...] = acc_ref[...]


_node_call = pl.pallas_call(
    _node_body,
    grid=(_NS,),
    in_specs=[
        pl.BlockSpec((1, 1, _R), lambda i: (i, 0, 0)),
        pl.BlockSpec((_R, _DN), lambda i: (i, 0)),
    ],
    out_specs=pl.BlockSpec((_NG, _DN), lambda i: (0, 0)),
    out_shape=jax.ShapeDtypeStruct((_NG, _DN), jnp.float32),
    scratch_shapes=[pltpu.VMEM((_NG, _DN), jnp.float32)],
)


def _comb_body(nag_ref, ep_ref, w_ref, b_ref, o_ref):
    eag = jnp.sum(ep_ref[...], axis=0)
    out = jnp.dot(nag_ref[...], w_ref[0:_DN, :],
                  preferred_element_type=jnp.float32)
    out = out + jnp.dot(eag, w_ref[_DN:_DN + _DE, :],
                        preferred_element_type=jnp.float32)
    o_ref[...] = out + b_ref[...]


_comb_call = pl.pallas_call(
    _comb_body,
    out_shape=jax.ShapeDtypeStruct((_NG, _DO), jnp.float32),
)


@jax.jit
def kernel(x, edge_index, edge_attr, u, batch, W, b):
    col = edge_index[1]
    b4 = batch.reshape(_NN // 4, 4)
    batch_p = (b4[:, 0] | (b4[:, 1] << 8) | (b4[:, 2] << 16)
               | (b4[:, 3] << 24))
    ea2 = edge_attr.reshape(_NE // 4, 128)
    ep = _edge_agg(col, ea2, batch_p)
    nag = _node_call(batch.reshape(_NS, 1, _R), x)
    return _comb_call(nag, ep.reshape(_NW, _NG, _DE), W,
                      b.reshape(1, _DO))

# --- scband reference (transcript-rebuilt; emitter-appended) ---
"""Pipeline reference for scband-global-model-two-10393820857014 (READ-ONLY COPY).

The authoritative reference and input builder live on the scoring server;
editing this copy changes nothing except your own understanding.
"""

import jax, jax.numpy as jnp
import numpy as np

N_NODES = 100000
N_EDGES = 1600000
NUM_GRAPHS = 256
D_NODE = 128
D_EDGE = 32
D_OUT = 64


def setup_inputs(seed: int = 0) -> dict:
    key = jax.random.key(seed)
    ks = jax.random.split(key, 7)
    x = jax.random.normal(ks[0], (N_NODES, D_NODE), dtype=jnp.float32)
    edge_index = jax.random.randint(ks[1], (2, N_EDGES), 0, N_NODES, dtype=jnp.int32)
    edge_attr = jax.random.normal(ks[2], (N_EDGES, D_EDGE), dtype=jnp.float32)
    u = jax.random.normal(ks[3], (NUM_GRAPHS, D_OUT), dtype=jnp.float32)
    batch = jnp.sort(jax.random.randint(ks[4], (N_NODES,), 0, NUM_GRAPHS, dtype=jnp.int32))
    # Linear(160 -> 64), xavier_uniform weight, bias filled with 0.01
    fan_in = D_NODE + D_EDGE
    limit = float(np.sqrt(6.0 / (fan_in + D_OUT)))
    W = jax.random.uniform(ks[5], (fan_in, D_OUT), dtype=jnp.float32, minval=-limit, maxval=limit)
    b = jnp.full((D_OUT,), 0.01, dtype=jnp.float32)
    return {"x": x, "edge_index": edge_index, "edge_attr": edge_attr, "u": u, "batch": batch, "W": W, "b": b}


def reference(x, edge_index, edge_attr, u, batch, W, b):
    # row, col = edge_index
    col = edge_index[1]
    # node_aggregate = scatter_add(x, batch, dim=0)
    node_aggregate = jax.ops.segment_sum(x, batch, num_segments=NUM_GRAPHS)
    # edge_aggregate = scatter_add(edge_attr, batch[col], dim=0)
    edge_aggregate = jax.ops.segment_sum(edge_attr, batch[col], num_segments=NUM_GRAPHS)
    out = jnp.concatenate([node_aggregate, edge_aggregate], axis=1)
    return out @ W + b

if __name__ == "__main__":
    import jax
    _d = setup_inputs()
    print(jax.jit(kernel)(*tuple(_d.values())))

</pallas_src>

<mosaic_0001>
#map = affine_map<(d0, d1) -> (0)>
#map1 = affine_map<(d0, d1) -> (0, 0)>
module attributes {stable_mosaic.version = 14 : i64} {
  func.func @_edge_agg(%arg0: i32, %arg1: i32, %arg2: memref<1600000xi32, #tpu.memory_space<hbm>>, %arg3: memref<400000x128xf32, #tpu.memory_space<hbm>>, %arg4: memref<25000xi32, #tpu.memory_space<hbm>>, %arg5: memref<32x8192xf32, #tpu.memory_space<hbm>>, %arg6: memref<25000xi32, #tpu.memory_space<vmem>>, %arg7: memref<640xi32, #tpu.memory_space<vmem>>, %arg8: memref<640xi32, #tpu.memory_space<vmem>>, %arg9: memref<160x128xf32, #tpu.memory_space<vmem>>, %arg10: memref<160x128xf32, #tpu.memory_space<vmem>>, %arg11: memref<8192xf32, #tpu.memory_space<vmem>>, %arg12: memref<!tpu.dma_semaphore, #tpu.memory_space<semaphore_mem>>, %arg13: memref<!tpu.dma_semaphore, #tpu.memory_space<semaphore_mem>>) attributes {dimension_semantics = [#tpu.dimension_semantics<core_parallel>, #tpu.dimension_semantics<subcore_parallel>], iteration_bounds = array<i64: 2, 16>, scalar_prefetch = 0 : i64, scratch_operands = 8 : i64, tpu.core_type = #tpu.core_type<sc_vector_subcore>, window_params = [{transform_indices = #map}, {transform_indices = #map1}, {transform_indices = #map}, {transform_indices = #map1}]} {
    %mul3A = arith.constant 2 : i32
    %mul3A_0 = arith.muli %arg1, %mul3A : i32
    %add3A = arith.addi %mul3A_0, %arg0 : i32
    "tpu.region"() ({
      %run_scoped3A = tpu.sem_alloc : memref<!tpu.dma_semaphore, #tpu.memory_space<semaphore_mem>>
      tpu.enqueue_dma source(%arg4 : memref<25000xi32, #tpu.memory_space<hbm>>) target(%arg6 : memref<25000xi32, #tpu.memory_space<vmem>>) target_semaphore(%run_scoped3A : memref<!tpu.dma_semaphore, #tpu.memory_space<semaphore_mem>>)
      tpu.wait_dma2 semaphore(%run_scoped3A : memref<!tpu.dma_semaphore, #tpu.memory_space<semaphore_mem>>) src(%arg4 : memref<25000xi32, #tpu.memory_space<hbm>>) dst(%arg6 : memref<25000xi32, #tpu.memory_space<vmem>>)
      tpu.yield
    }) : () -> ()
    %broadcast_in_dim3A = arith.constant 0.000000e+00 : f32
    %broadcast_in_dim3A_1 = vector.broadcast %broadcast_in_dim3A : f32 to vector<16xf32>
    %scan3A = arith.constant 0 : i32
    %scan3A_2 = arith.constant 0 : i32
    %scan3A_3 = arith.constant 512 : i32
    %scan3A_4 = arith.addi %scan3A_2, %scan3A_3 : i32
    %scan3A_5 = arith.constant 1 : i32
    scf.for %scan3A_21 = %scan3A_2 to %scan3A_4 step %scan3A_5  : i32 {
      %mul3A_22 = arith.constant 16 : i32
      %mul3A_23 = arith.muli %scan3A_21, %mul3A_22 : i32
      %swap3A = arith.index_cast %mul3A_23 : i32 to index
      %swap3A_24 = tpu.vector_load %arg11[%swap3A] {strides = array<i32>} : memref<8192xf32, #tpu.memory_space<vmem>>, vector<16xf32>,
      tpu.vector_store %arg11[%swap3A], %broadcast_in_dim3A_1 {strides = array<i32>} : memref<8192xf32, #tpu.memory_space<vmem>>, vector<16xf32>,
    }
    %scan3A_6 = arith.constant 512 : i32
    %iota3A = tpu.iota {dimensions = array<i32: 0>} : vector<16xi32>
    %add3A_7 = arith.constant 0 : i32
    %add3A_8 = arith.addi %add3A_7, %add3A : i32
    %mul3A_9 = arith.constant 640 : i32
    %mul3A_10 = arith.muli %add3A_8, %mul3A_9 : i32
    %mul3A_11 = arith.constant 160 : i32
    %mul3A_12 = arith.muli %add3A_8, %mul3A_11 : i32
    %lt3A = arith.constant 2500 : i32
    %lt3A_13 = arith.cmpi slt, %add3A_8, %lt3A : i32
    %convert_element_type3A = arith.extui %lt3A_13 : i1 to i32
    %cond3A = arith.constant 0 : i32
    %cond3A_14 = arith.cmpi ne, %convert_element_type3A, %cond3A : i32
    scf.if %cond3A_14 {
      %dma_start3A = tpu.memref_slice %arg2[%mul3A_10] : memref<1600000xi32, #tpu.memory_space<hbm>> -> memref<640xi32, #tpu.memory_space<hbm>>
      %dma_start3A_21 = tpu.memref_slice %arg2[%mul3A_10] : memref<1600000xi32, #tpu.memory_space<hbm>> -> memref<640xi32, #tpu.memory_space<hbm>>
      tpu.enqueue_dma source(%dma_start3A_21 : memref<640xi32, #tpu.memory_space<hbm>>) target(%arg7 : memref<640xi32, #tpu.memory_space<vmem>>) target_semaphore(%arg12 : memref<!tpu.dma_semaphore, #tpu.memory_space<semaphore_mem>>)
      %dma_start3A_22 = arith.constant 0 : i32
      %dma_start3A_23 = tpu.memref_slice %arg3[%mul3A_12, %dma_start3A_22] : memref<400000x128xf32, #tpu.memory_space<hbm>> -> memref<160x128xf32, #tpu.memory_space<hbm>>
      %dma_start3A_24 = arith.constant 0 : i32
      %dma_start3A_25 = tpu.memref_slice %arg3[%mul3A_12, %dma_start3A_24] : memref<400000x128xf32, #tpu.memory_space<hbm>> -> memref<160x128xf32, #tpu.memory_space<hbm>>
      tpu.enqueue_dma source(%dma_start3A_25 : memref<160x128xf32, #tpu.memory_space<hbm>>) target(%arg9 : memref<160x128xf32, #tpu.memory_space<vmem>>) target_semaphore(%arg12 : memref<!tpu.dma_semaphore, #tpu.memory_space<semaphore_mem>>)
    } else {
    }
    %scan3A_15 = arith.constant 0 : i32
    %scan3A_16 = arith.constant 0 : i32
    %scan3A_17 = arith.constant 40 : i32
    %scan3A_18 = arith.addi %scan3A_16, %scan3A_17 : i32
    %scan3A_19 = arith.constant 1 : i32
    scf.for %scan3A_21 = %scan3A_16 to %scan3A_18 step %scan3A_19  : i32 {
      %mul3A_22 = arith.constant 2 : i32
      %mul3A_23 = arith.muli %scan3A_21, %mul3A_22 : i32
      %add3A_24 = arith.constant 1 : i32
      %add3A_25 = arith.addi %mul3A_23, %add3A_24 : i32
      %mul3A_26 = arith.constant 32 : i32
      %mul3A_27 = arith.muli %mul3A_23, %mul3A_26 : i32
      %add3A_28 = arith.addi %mul3A_27, %add3A : i32
      %mul3A_29 = arith.constant 640 : i32
      %mul3A_30 = arith.muli %add3A_28, %mul3A_29 : i32
      %mul3A_31 = arith.constant 160 : i32
      %mul3A_32 = arith.muli %add3A_28, %mul3A_31 : i32
      %lt3A_33 = arith.constant 2500 : i32
      %lt3A_34 = arith.cmpi slt, %add3A_28, %lt3A_33 : i32
      %convert_element_type3A_35 = arith.extui %lt3A_34 : i1 to i32
      %cond3A_36 = arith.constant 0 : i32
      %cond3A_37 = arith.cmpi ne, %convert_element_type3A_35, %cond3A_36 : i32
      scf.if %cond3A_37 {
        %dma_wait3A = tpu.memref_slice %arg2[%mul3A_30] : memref<1600000xi32, #tpu.memory_space<hbm>> -> memref<640xi32, #tpu.memory_space<hbm>>
        %dma_wait3A_54 = tpu.memref_slice %arg2[%mul3A_30] : memref<1600000xi32, #tpu.memory_space<hbm>> -> memref<640xi32, #tpu.memory_space<hbm>>
        tpu.wait_dma2 semaphore(%arg12 : memref<!tpu.dma_semaphore, #tpu.memory_space<semaphore_mem>>) src(%dma_wait3A_54 : memref<640xi32, #tpu.memory_space<hbm>>) dst(%arg7 : memref<640xi32, #tpu.memory_space<vmem>>)
        %dma_wait3A_55 = arith.constant 0 : i32
        %dma_wait3A_56 = tpu.memref_slice %arg3[%mul3A_32, %dma_wait3A_55] : memref<400000x128xf32, #tpu.memory_space<hbm>> -> memref<160x128xf32, #tpu.memory_space<hbm>>
        %dma_wait3A_57 = arith.constant 0 : i32
        %dma_wait3A_58 = tpu.memref_slice %arg3[%mul3A_32, %dma_wait3A_57] : memref<400000x128xf32, #tpu.memory_space<hbm>> -> memref<160x128xf32, #tpu.memory_space<hbm>>
        tpu.wait_dma2 semaphore(%arg12 : memref<!tpu.dma_semaphore, #tpu.memory_space<semaphore_mem>>) src(%dma_wait3A_58 : memref<160x128xf32, #tpu.memory_space<hbm>>) dst(%arg9 : memref<160x128xf32, #tpu.memory_space<vmem>>)
        %mul3A_59 = arith.constant 32 : i32
        %mul3A_60 = arith.muli %add3A_25, %mul3A_59 : i32
        %add3A_61 = arith.addi %mul3A_60, %add3A : i32
        %mul3A_62 = arith.constant 640 : i32
        %mul3A_63 = arith.muli %add3A_61, %mul3A_62 : i32
        %mul3A_64 = arith.constant 160 : i32
        %mul3A_65 = arith.muli %add3A_61, %mul3A_64 : i32
        %lt3A_66 = arith.constant 2500 : i32
        %lt3A_67 = arith.cmpi slt, %add3A_61, %lt3A_66 : i32
        %convert_element_type3A_68 = arith.extui %lt3A_67 : i1 to i32
        %cond3A_69 = arith.constant 0 : i32
        %cond3A_70 = arith.cmpi ne, %convert_element_type3A_68, %cond3A_69 : i32
        scf.if %cond3A_70 {
          %dma_start3A = tpu.memref_slice %arg2[%mul3A_63] : memref<1600000xi32, #tpu.memory_space<hbm>> -> memref<640xi32, #tpu.memory_space<hbm>>
          %dma_start3A_77 = tpu.memref_slice %arg2[%mul3A_63] : memref<1600000xi32, #tpu.memory_space<hbm>> -> memref<640xi32, #tpu.memory_space<hbm>>
          tpu.enqueue_dma source(%dma_start3A_77 : memref<640xi32, #tpu.memory_space<hbm>>) target(%arg8 : memref<640xi32, #tpu.memory_space<vmem>>) target_semaphore(%arg13 : memref<!tpu.dma_semaphore, #tpu.memory_space<semaphore_mem>>)
          %dma_start3A_78 = arith.constant 0 : i32
          %dma_start3A_79 = tpu.memref_slice %arg3[%mul3A_65, %dma_start3A_78] : memref<400000x128xf32, #tpu.memory_space<hbm>> -> memref<160x128xf32, #tpu.memory_space<hbm>>
          %dma_start3A_80 = arith.constant 0 : i32
          %dma_start3A_81 = tpu.memref_slice %arg3[%mul3A_65, %dma_start3A_80] : memref<400000x128xf32, #tpu.memory_space<hbm>> -> memref<160x128xf32, #tpu.memory_space<hbm>>
          tpu.enqueue_dma source(%dma_start3A_81 : memref<160x128xf32, #tpu.memory_space<hbm>>) target(%arg10 : memref<160x128xf32, #tpu.memory_space<vmem>>) target_semaphore(%arg13 : memref<!tpu.dma_semaphore, #tpu.memory_space<semaphore_mem>>)
        } else {
        }
        %scan3A_71 = arith.constant 0 : i32
        %scan3A_72 = arith.constant 0 : i32
        %scan3A_73 = arith.constant 40 : i32
        %scan3A_74 = arith.addi %scan3A_72, %scan3A_73 : i32
        %scan3A_75 = arith.constant 1 : i32
        scf.for %scan3A_77 = %scan3A_72 to %scan3A_74 step %scan3A_75  : i32 {
          %mul3A_78 = arith.constant 16 : i32
          %mul3A_79 = arith.muli %scan3A_77, %mul3A_78 : i32
          %get3A = arith.index_cast %mul3A_79 : i32 to index
          %get3A_80 = tpu.vector_load %arg7[%get3A] {strides = array<i32>} : memref<640xi32, #tpu.memory_space<vmem>>, vector<16xi32>,
          %shift_right_arithmetic3A = arith.constant 2 : i32
          %shift_right_arithmetic3A_81 = vector.broadcast %shift_right_arithmetic3A : i32 to vector<16xi32>
          %shift_right_arithmetic3A_82 = arith.shrsi %get3A_80, %shift_right_arithmetic3A_81 : vector<16xi32>
          %gather3A = tpu.vector_load_idx %arg6[%shift_right_arithmetic3A_82] : memref<25000xi32, #tpu.memory_space<vmem>>[vector<16xi32>], vector<16xi32>,
          %and3A = arith.constant 3 : i32
          %and3A_83 = vector.broadcast %and3A : i32 to vector<16xi32>
          %and3A_84 = arith.andi %get3A_80, %and3A_83 : vector<16xi32>
          %shift_left3A = arith.constant 3 : i32
          %shift_left3A_85 = vector.broadcast %shift_left3A : i32 to vector<16xi32>
          %shift_left3A_86 = arith.shli %and3A_84, %shift_left3A_85 : vector<16xi32>
          %shift_right_arithmetic3A_87 = arith.shrsi %gather3A, %shift_left3A_86 : vector<16xi32>
          %and3A_88 = arith.constant 255 : i32
          %and3A_89 = vector.broadcast %and3A_88 : i32 to vector<16xi32>
          %and3A_90 = arith.andi %shift_right_arithmetic3A_87, %and3A_89 : vector<16xi32>
          %mul3A_91 = arith.constant 32 : i32
          %mul3A_92 = vector.broadcast %mul3A_91 : i32 to vector<16xi32>
          %mul3A_93 = arith.muli %and3A_90, %mul3A_92 : vector<16xi32>
          %slice3A = vector.extract_strided_slice %mul3A_93 {offsets = [0], sizes = [1], strides = [1]} : vector<16xi32> to vector<1xi32>
          %squeeze3A = vector.extract %slice3A[0] : i32 from vector<1xi32>
          %mul3A_94 = arith.constant 4 : i32
          %mul3A_95 = arith.muli %scan3A_77, %mul3A_94 : i32
          %add3A_96 = arith.constant 0 : i32
          %add3A_97 = arith.addi %mul3A_95, %add3A_96 : i32
          %get3A_98 = arith.index_cast %add3A_97 : i32 to index
          %get3A_99 = arith.constant 0 : index
          %get3A_100 = tpu.vector_load %arg9[%get3A_98, %get3A_99] {strides = array<i32>} : memref<160x128xf32, #tpu.memory_space<vmem>>, vector<16xf32>,
          %get3A_101 = arith.index_cast %add3A_97 : i32 to index
          %get3A_102 = arith.constant 16 : index
          %get3A_103 = tpu.vector_load %arg9[%get3A_101, %get3A_102] {strides = array<i32>} : memref<160x128xf32, #tpu.memory_space<vmem>>, vector<16xf32>,
          %add3A_104 = vector.broadcast %squeeze3A : i32 to vector<16xi32>
          %add3A_105 = arith.addi %add3A_104, %iota3A : vector<16xi32>
          tpu.vector_store_idx %arg11[%add3A_105], %get3A_100 {add = true} : memref<8192xf32, #tpu.memory_space<vmem>>[vector<16xi32>], vector<16xf32>,
          %add3A_106 = arith.constant 16 : i32
          %add3A_107 = vector.broadcast %add3A_106 : i32 to vector<16xi32>
          %add3A_108 = arith.addi %iota3A, %add3A_107 : vector<16xi32>
          %add3A_109 = vector.broadcast %squeeze3A : i32 to vector<16xi32>
          %add3A_110 = arith.addi %add3A_109, %add3A_108 : vector<16xi32>
          tpu.vector_store_idx %arg11[%add3A_110], %get3A_103 {add = true} : memref<8192xf32, #tpu.memory_space<vmem>>[vector<16xi32>], vector<16xf32>,
          %slice3A_111 = vector.extract_strided_slice %mul3A_93 {offsets = [1], sizes = [1], strides = [1]} : vector<16xi32> to vector<1xi32>
          %squeeze3A_112 = vector.extract %slice3A_111[0] : i32 from vector<1xi32>
          %mul3A_113 = arith.constant 4 : i32
          %mul3A_114 = arith.muli %scan3A_77, %mul3A_113 : i32
          %add3A_115 = arith.constant 0 : i32
          %add3A_116 = arith.addi %mul3A_114, %add3A_115 : i32
          %get3A_117 = arith.index_cast %add3A_116 : i32 to index
          %get3A_118 = arith.constant 32 : index
          %get3A_119 = tpu.vector_load %arg9[%get3A_117, %get3A_118] {strides = array<i32>} : memref<160x128xf32, #tpu.memory_space<vmem>>, vector<16xf32>,
          %get3A_120 = arith.index_cast %add3A_116 : i32 to index
          %get3A_121 = arith.constant 48 : index
          %get3A_122 = tpu.vector_load %arg9[%get3A_120, %get3A_121] {strides = array<i32>} : memref<160x128xf32, #tpu.memory_space<vmem>>, vector<16xf32>,
          %add3A_123 = vector.broadcast %squeeze3A_112 : i32 to vector<16xi32>
          %add3A_124 = arith.addi %add3A_123, %iota3A : vector<16xi32>
          tpu.vector_store_idx %arg11[%add3A_124], %get3A_119 {add = true} : memref<8192xf32, #tpu.memory_space<vmem>>[vector<16xi32>], vector<16xf32>,
          %add3A_125 = arith.constant 16 : i32
          %add3A_126 = vector.broadcast %add3A_125 : i32 to vector<16xi32>
          %add3A_127 = arith.addi %iota3A, %add3A_126 : vector<16xi32>
          %add3A_128 = vector.broadcast %squeeze3A_112 : i32 to vector<16xi32>
          %add3A_129 = arith.addi %add3A_128, %add3A_127 : vector<16xi32>
          tpu.vector_store_idx %arg11[%add3A_129], %get3A_122 {add = true} : memref<8192xf32, #tpu.memory_space<vmem>>[vector<16xi32>], vector<16xf32>,
          %slice3A_130 = vector.extract_strided_slice %mul3A_93 {offsets = [2], sizes = [1], strides = [1]} : vector<16xi32> to vector<1xi32>
          %squeeze3A_131 = vector.extract %slice3A_130[0] : i32 from vector<1xi32>
          %mul3A_132 = arith.constant 4 : i32
          %mul3A_133 = arith.muli %scan3A_77, %mul3A_132 : i32
          %add3A_134 = arith.constant 0 : i32
          %add3A_135 = arith.addi %mul3A_133, %add3A_134 : i32
          %get3A_136 = arith.index_cast %add3A_135 : i32 to index
          %get3A_137 = arith.constant 64 : index
          %get3A_138 = tpu.vector_load %arg9[%get3A_136, %get3A_137] {strides = array<i32>} : memref<160x128xf32, #tpu.memory_space<vmem>>, vector<16xf32>,
          %get3A_139 = arith.index_cast %add3A_135 : i32 to index
          %get3A_140 = arith.constant 80 : index
          %get3A_141 = tpu.vector_load %arg9[%get3A_139, %get3A_140] {strides = array<i32>} : memref<160x128xf32, #tpu.memory_space<vmem>>, vector<16xf32>,
          %add3A_142 = vector.broadcast %squeeze3A_131 : i32 to vector<16xi32>
          %add3A_143 = arith.addi %add3A_142, %iota3A : vector<16xi32>
          tpu.vector_store_idx %arg11[%add3A_143], %get3A_138 {add = true} : memref<8192xf32, #tpu.memory_space<vmem>>[vector<16xi32>], vector<16xf32>,
          %add3A_144 = arith.constant 16 : i32
          %add3A_145 = vector.broadcast %add3A_144 : i32 to vector<16xi32>
          %add3A_146 = arith.addi %iota3A, %add3A_145 : vector<16xi32>
          %add3A_147 = vector.broadcast %squeeze3A_131 : i32 to vector<16xi32>
          %add3A_148 = arith.addi %add3A_147, %add3A_146 : vector<16xi32>
          tpu.vector_store_idx %arg11[%add3A_148], %get3A_141 {add = true} : memref<8192xf32, #tpu.memory_space<vmem>>[vector<16xi32>], vector<16xf32>,
          %slice3A_149 = vector.extract_strided_slice %mul3A_93 {offsets = [3], sizes = [1], strides = [1]} : vector<16xi32> to vector<1xi32>
          %squeeze3A_150 = vector.extract %slice3A_149[0] : i32 from vector<1xi32>
          %mul3A_151 = arith.constant 4 : i32
          %mul3A_152 = arith.muli %scan3A_77, %mul3A_151 : i32
          %add3A_153 = arith.constant 0 : i32
          %add3A_154 = arith.addi %mul3A_152, %add3A_153 : i32
          %get3A_155 = arith.index_cast %add3A_154 : i32 to index
          %get3A_156 = arith.constant 96 : index
          %get3A_157 = tpu.vector_load %arg9[%get3A_155, %get3A_156] {strides = array<i32>} : memref<160x128xf32, #tpu.memory_space<vmem>>, vector<16xf32>,
          %get3A_158 = arith.index_cast %add3A_154 : i32 to index
          %get3A_159 = arith.constant 112 : index
          %get3A_160 = tpu.vector_load %arg9[%get3A_158, %get3A_159] {strides = array<i32>} : memref<160x128xf32, #tpu.memory_space<vmem>>, vector<16xf32>,
          %add3A_161 = vector.broadcast %squeeze3A_150 : i32 to vector<16xi32>
          %add3A_162 = arith.addi %add3A_161, %iota3A : vector<16xi32>
          tpu.vector_store_idx %arg11[%add3A_162], %get3A_157 {add = true} : memref<8192xf32, #tpu.memory_space<vmem>>[vector<16xi32>], vector<16xf32>,
          %add3A_163 = arith.constant 16 : i32
          %add3A_164 = vector.broadcast %add3A_163 : i32 to vector<16xi32>
          %add3A_165 = arith.addi %iota3A, %add3A_164 : vector<16xi32>
          %add3A_166 = vector.broadcast %squeeze3A_150 : i32 to vector<16xi32>
          %add3A_167 = arith.addi %add3A_166, %add3A_165 : vector<16xi32>
          tpu.vector_store_idx %arg11[%add3A_167], %get3A_160 {add = true} : memref<8192xf32, #tpu.memory_space<vmem>>[vector<16xi32>], vector<16xf32>,
          %slice3A_168 = vector.extract_strided_slice %mul3A_93 {offsets = [4], sizes = [1], strides = [1]} : vector<16xi32> to vector<1xi32>
          %squeeze3A_169 = vector.extract %slice3A_168[0] : i32 from vector<1xi32>
          %mul3A_170 = arith.constant 4 : i32
          %mul3A_171 = arith.muli %scan3A_77, %mul3A_170 : i32
          %add3A_172 = arith.constant 1 : i32
          %add3A_173 = arith.addi %mul3A_171, %add3A_172 : i32
          %get3A_174 = arith.index_cast %add3A_173 : i32 to index
          %get3A_175 = arith.constant 0 : index
          %get3A_176 = tpu.vector_load %arg9[%get3A_174, %get3A_175] {strides = array<i32>} : memref<160x128xf32, #tpu.memory_space<vmem>>, vector<16xf32>,
          %get3A_177 = arith.index_cast %add3A_173 : i32 to index
          %get3A_178 = arith.constant 16 : index
          %get3A_179 = tpu.vector_load %arg9[%get3A_177, %get3A_178] {strides = array<i32>} : memref<160x128xf32, #tpu.memory_space<vmem>>, vector<16xf32>,
          %add3A_180 = vector.broadcast %squeeze3A_169 : i32 to vector<16xi32>
          %add3A_181 = arith.addi %add3A_180, %iota3A : vector<16xi32>
          tpu.vector_store_idx %arg11[%add3A_181], %get3A_176 {add = true} : memref<8192xf32, #tpu.memory_space<vmem>>[vector<16xi32>], vector<16xf32>,
          %add3A_182 = arith.constant 16 : i32
          %add3A_183 = vector.broadcast %add3A_182 : i32 to vector<16xi32>
          %add3A_184 = arith.addi %iota3A, %add3A_183 : vector<16xi32>
          %add3A_185 = vector.broadcast %squeeze3A_169 : i32 to vector<16xi32>
          %add3A_186 = arith.addi %add3A_185, %add3A_184 : vector<16xi32>
          tpu.vector_store_idx %arg11[%add3A_186], %get3A_179 {add = true} : memref<8192xf32, #tpu.memory_space<vmem>>[vector<16xi32>], vector<16xf32>,
          %slice3A_187 = vector.extract_strided_slice %mul3A_93 {offsets = [5], sizes = [1], strides = [1]} : vector<16xi32> to vector<1xi32>
          %squeeze3A_188 = vector.extract %slice3A_187[0] : i32 from vector<1xi32>
          %mul3A_189 = arith.constant 4 : i32
          %mul3A_190 = arith.muli %scan3A_77, %mul3A_189 : i32
          %add3A_191 = arith.constant 1 : i32
          %add3A_192 = arith.addi %mul3A_190, %add3A_191 : i32
          %get3A_193 = arith.index_cast %add3A_192 : i32 to index
          %get3A_194 = arith.constant 32 : index
          %get3A_195 = tpu.vector_load %arg9[%get3A_193, %get3A_194] {strides = array<i32>} : memref<160x128xf32, #tpu.memory_space<vmem>>, vector<16xf32>,
          %get3A_196 = arith.index_cast %add3A_192 : i32 to index
          %get3A_197 = arith.constant 48 : index
          %get3A_198 = tpu.vector_load %arg9[%get3A_196, %get3A_197] {strides = array<i32>} : memref<160x128xf32, #tpu.memory_space<vmem>>, vector<16xf32>,
          %add3A_199 = vector.broadcast %squeeze3A_188 : i32 to vector<16xi32>
          %add3A_200 = arith.addi %add3A_199, %iota3A : vector<16xi32>
          tpu.vector_store_idx %arg11[%add3A_200], %get3A_195 {add = true} : memref<8192xf32, #tpu.memory_space<vmem>>[vector<16xi32>], vector<16xf32>,
          %add3A_201 = arith.constant 16 : i32
          %add3A_202 = vector.broadcast %add3A_201 : i32 to vector<16xi32>
          %add3A_203 = arith.addi %iota3A, %add3A_202 : vector<16xi32>
          %add3A_204 = vector.broadcast %squeeze3A_188 : i32 to vector<16xi32>
          %add3A_205 = arith.addi %add3A_204, %add3A_203 : vector<16xi32>
          tpu.vector_store_idx %arg11[%add3A_205], %get3A_198 {add = true} : memref<8192xf32, #tpu.memory_space<vmem>>[vector<16xi32>], vector<16xf32>,
          %slice3A_206 = vector.extract_strided_slice %mul3A_93 {offsets = [6], sizes = [1], strides = [1]} : vector<16xi32> to vector<1xi32>
          %squeeze3A_207 = vector.extract %slice3A_206[0] : i32 from vector<1xi32>
          %mul3A_208 = arith.constant 4 : i32
          %mul3A_209 = arith.muli %scan3A_77, %mul3A_208 : i32
          %add3A_210 = arith.constant 1 : i32
          %add3A_211 = arith.addi %mul3A_209, %add3A_210 : i32
          %get3A_212 = arith.index_cast %add3A_211 : i32 to index
          %get3A_213 = arith.constant 64 : index
          %get3A_214 = tpu.vector_load %arg9[%get3A_212, %get3A_213] {strides = array<i32>} : memref<160x128xf32, #tpu.memory_space<vmem>>, vector<16xf32>,
          %get3A_215 = arith.index_cast %add3A_211 : i32 to index
          %get3A_216 = arith.constant 80 : index
          %get3A_217 = tpu.vector_load %arg9[%get3A_215, %get3A_216] {strides = array<i32>} : memref<160x128xf32, #tpu.memory_space<vmem>>, vector<16xf32>,
          %add3A_218 = vector.broadcast %squeeze3A_207 : i32 to vector<16xi32>
          %add3A_219 = arith.addi %add3A_218, %iota3A : vector<16xi32>
          tpu.vector_store_idx %arg11[%add3A_219], %get3A_214 {add = true} : memref<8192xf32, #tpu.memory_space<vmem>>[vector<16xi32>], vector<16xf32>,
          %add3A_220 = arith.constant 16 : i32
          %add3A_221 = vector.broadcast %add3A_220 : i32 to vector<16xi32>
          %add3A_222 = arith.addi %iota3A, %add3A_221 : vector<16xi32>
          %add3A_223 = vector.broadcast %squeeze3A_207 : i32 to vector<16xi32>
          %add3A_224 = arith.addi %add3A_223, %add3A_222 : vector<16xi32>
          tpu.vector_store_idx %arg11[%add3A_224], %get3A_217 {add = true} : memref<8192xf32, #tpu.memory_space<vmem>>[vector<16xi32>], vector<16xf32>,
          %slice3A_225 = vector.extract_strided_slice %mul3A_93 {offsets = [7], sizes = [1], strides = [1]} : vector<16xi32> to vector<1xi32>
          %squeeze3A_226 = vector.extract %slice3A_225[0] : i32 from vector<1xi32>
          %mul3A_227 = arith.constant 4 : i32
          %mul3A_228 = arith.muli %scan3A_77, %mul3A_227 : i32
          %add3A_229 = arith.constant 1 : i32
          %add3A_230 = arith.addi %mul3A_228, %add3A_229 : i32
          %get3A_231 = arith.index_cast %add3A_230 : i32 to index
          %get3A_232 = arith.constant 96 : index
          %get3A_233 = tpu.vector_load %arg9[%get3A_231, %get3A_232] {strides = array<i32>} : memref<160x128xf32, #tpu.memory_space<vmem>>, vector<16xf32>,
          %get3A_234 = arith.index_cast %add3A_230 : i32 to index
          %get3A_235 = arith.constant 112 : index
          %get3A_236 = tpu.vector_load %arg9[%get3A_234, %get3A_235] {strides = array<i32>} : memref<160x128xf32, #tpu.memory_space<vmem>>, vector<16xf32>,
          %add3A_237 = vector.broadcast %squeeze3A_226 : i32 to vector<16xi32>
          %add3A_238 = arith.addi %add3A_237, %iota3A : vector<16xi32>
          tpu.vector_store_idx %arg11[%add3A_238], %get3A_233 {add = true} : memref<8192xf32, #tpu.memory_space<vmem>>[vector<16xi32>], vector<16xf32>,
          %add3A_239 = arith.constant 16 : i32
          %add3A_240 = vector.broadcast %add3A_239 : i32 to vector<16xi32>
          %add3A_241 = arith.addi %iota3A, %add3A_240 : vector<16xi32>
          %add3A_242 = vector.broadcast %squeeze3A_226 : i32 to vector<16xi32>
          %add3A_243 = arith.addi %add3A_242, %add3A_241 : vector<16xi32>
          tpu.vector_store_idx %arg11[%add3A_243], %get3A_236 {add = true} : memref<8192xf32, #tpu.memory_space<vmem>>[vector<16xi32>], vector<16xf32>,
          %slice3A_244 = vector.extract_strided_slice %mul3A_93 {offsets = [8], sizes = [1], strides = [1]} : vector<16xi32> to vector<1xi32>
          %squeeze3A_245 = vector.extract %slice3A_244[0] : i32 from vector<1xi32>
          %mul3A_246 = arith.constant 4 : i32
          %mul3A_247 = arith.muli %scan3A_77, %mul3A_246 : i32
          %add3A_248 = arith.constant 2 : i32
          %add3A_249 = arith.addi %mul3A_247, %add3A_248 : i32
          %get3A_250 = arith.index_cast %add3A_249 : i32 to index
          %get3A_251 = arith.constant 0 : index
          %get3A_252 = tpu.vector_load %arg9[%get3A_250, %get3A_251] {strides = array<i32>} : memref<160x128xf32, #tpu.memory_space<vmem>>, vector<16xf32>,
          %get3A_253 = arith.index_cast %add3A_249 : i32 to index
          %get3A_254 = arith.constant 16 : index
          %get3A_255 = tpu.vector_load %arg9[%get3A_253, %get3A_254] {strides = array<i32>} : memref<160x128xf32, #tpu.memory_space<vmem>>, vector<16xf32>,
          %add3A_256 = vector.broadcast %squeeze3A_245 : i32 to vector<16xi32>
          %add3A_257 = arith.addi %add3A_256, %iota3A : vector<16xi32>
          tpu.vector_store_idx %arg11[%add3A_257], %get3A_252 {add = true} : memref<8192xf32, #tpu.memory_space<vmem>>[vector<16xi32>], vector<16xf32>,
          %add3A_258 = arith.constant 16 : i32
          %add3A_259 = vector.broadcast %add3A_258 : i32 to vector<16xi32>
          %add3A_260 = arith.addi %iota3A, %add3A_259 : vector<16xi32>
          %add3A_261 = vector.broadcast %squeeze3A_245 : i32 to vector<16xi32>
          %add3A_262 = arith.addi %add3A_261, %add3A_260 : vector<16xi32>
          tpu.vector_store_idx %arg11[%add3A_262], %get3A_255 {add = true} : memref<8192xf32, #tpu.memory_space<vmem>>[vector<16xi32>], vector<16xf32>,
          %slice3A_263 = vector.extract_strided_slice %mul3A_93 {offsets = [9], sizes = [1], strides = [1]} : vector<16xi32> to vector<1xi32>
          %squeeze3A_264 = vector.extract %slice3A_263[0] : i32 from vector<1xi32>
          %mul3A_265 = arith.constant 4 : i32
          %mul3A_266 = arith.muli %scan3A_77, %mul3A_265 : i32
          %add3A_267 = arith.constant 2 : i32
          %add3A_268 = arith.addi %mul3A_266, %add3A_267 : i32
          %get3A_269 = arith.index_cast %add3A_268 : i32 to index
          %get3A_270 = arith.constant 32 : index
          %get3A_271 = tpu.vector_load %arg9[%get3A_269, %get3A_270] {strides = array<i32>} : memref<160x128xf32, #tpu.memory_space<vmem>>, vector<16xf32>,
          %get3A_272 = arith.index_cast %add3A_268 : i32 to index
          %get3A_273 = arith.constant 48 : index
          %get3A_274 = tpu.vector_load %arg9[%get3A_272, %get3A_273] {strides = array<i32>} : memref<160x128xf32, #tpu.memory_space<vmem>>, vector<16xf32>,
          %add3A_275 = vector.broadcast %squeeze3A_264 : i32 to vector<16xi32>
          %add3A_276 = arith.addi %add3A_275, %iota3A : vector<16xi32>
          tpu.vector_store_idx %arg11[%add3A_276], %get3A_271 {add = true} : memref<8192xf32, #tpu.memory_space<vmem>>[vector<16xi32>], vector<16xf32>,
          %add3A_277 = arith.constant 16 : i32
          %add3A_278 = vector.broadcast %add3A_277 : i32 to vector<16xi32>
          %add3A_279 = arith.addi %iota3A, %add3A_278 : vector<16xi32>
          %add3A_280 = vector.broadcast %squeeze3A_264 : i32 to vector<16xi32>
          %add3A_281 = arith.addi %add3A_280, %add3A_279 : vector<16xi32>
          tpu.vector_store_idx %arg11[%add3A_281], %get3A_274 {add = true} : memref<8192xf32, #tpu.memory_space<vmem>>[vector<16xi32>], vector<16xf32>,
          %slice3A_282 = vector.extract_strided_slice %mul3A_93 {offsets = [10], sizes = [1], strides = [1]} : vector<16xi32> to vector<1xi32>
          %squeeze3A_283 = vector.extract %slice3A_282[0] : i32 from vector<1xi32>
          %mul3A_284 = arith.constant 4 : i32
          %mul3A_285 = arith.muli %scan3A_77, %mul3A_284 : i32
          %add3A_286 = arith.constant 2 : i32
          %add3A_287 = arith.addi %mul3A_285, %add3A_286 : i32
          %get3A_288 = arith.index_cast %add3A_287 : i32 to index
          %get3A_289 = arith.constant 64 : index
          %get3A_290 = tpu.vector_load %arg9[%get3A_288, %get3A_289] {strides = array<i32>} : memref<160x128xf32, #tpu.memory_space<vmem>>, vector<16xf32>,
          %get3A_291 = arith.index_cast %add3A_287 : i32 to index
          %get3A_292 = arith.constant 80 : index
          %get3A_293 = tpu.vector_load %arg9[%get3A_291, %get3A_292] {strides = array<i32>} : memref<160x128xf32, #tpu.memory_space<vmem>>, vector<16xf32>,
          %add3A_294 = vector.broadcast %squeeze3A_283 : i32 to vector<16xi32>
          %add3A_295 = arith.addi %add3A_294, %iota3A : vector<16xi32>
          tpu.vector_store_idx %arg11[%add3A_295], %get3A_290 {add = true} : memref<8192xf32, #tpu.memory_space<vmem>>[vector<16xi32>], vector<16xf32>,
          %add3A_296 = arith.constant 16 : i32
          %add3A_297 = vector.broadcast %add3A_296 : i32 to vector<16xi32>
          %add3A_298 = arith.addi %iota3A, %add3A_297 : vector<16xi32>
          %add3A_299 = vector.broadcast %squeeze3A_283 : i32 to vector<16xi32>
          %add3A_300 = arith.addi %add3A_299, %add3A_298 : vector<16xi32>
          tpu.vector_store_idx %arg11[%add3A_300], %get3A_293 {add = true} : memref<8192xf32, #tpu.memory_space<vmem>>[vector<16xi32>], vector<16xf32>,
          %slice3A_301 = vector.extract_strided_slice %mul3A_93 {offsets = [11], sizes = [1], strides = [1]} : vector<16xi32> to vector<1xi32>
          %squeeze3A_302 = vector.extract %slice3A_301[0] : i32 from vector<1xi32>
          %mul3A_303 = arith.constant 4 : i32
          %mul3A_304 = arith.muli %scan3A_77, %mul3A_303 : i32
          %add3A_305 = arith.constant 2 : i32
          %add3A_306 = arith.addi %mul3A_304, %add3A_305 : i32
          %get3A_307 = arith.index_cast %add3A_306 : i32 to index
          %get3A_308 = arith.constant 96 : index
          %get3A_309 = tpu.vector_load %arg9[%get3A_307, %get3A_308] {strides = array<i32>} : memref<160x128xf32, #tpu.memory_space<vmem>>, vector<16xf32>,
          %get3A_310 = arith.index_cast %add3A_306 : i32 to index
          %get3A_311 = arith.constant 112 : index
          %get3A_312 = tpu.vector_load %arg9[%get3A_310, %get3A_311] {strides = array<i32>} : memref<160x128xf32, #tpu.memory_space<vmem>>, vector<16xf32>,
          %add3A_313 = vector.broadcast %squeeze3A_302 : i32 to vector<16xi32>
          %add3A_314 = arith.addi %add3A_313, %iota3A : vector<16xi32>
          tpu.vector_store_idx %arg11[%add3A_314], %get3A_309 {add = true} : memref<8192xf32, #tpu.memory_space<vmem>>[vector<16xi32>], vector<16xf32>,
          %add3A_315 = arith.constant 16 : i32
          %add3A_316 = vector.broadcast %add3A_315 : i32 to vector<16xi32>
          %add3A_317 = arith.addi %iota3A, %add3A_316 : vector<16xi32>
          %add3A_318 = vector.broadcast %squeeze3A_302 : i32 to vector<16xi32>
          %add3A_319 = arith.addi %add3A_318, %add3A_317 : vector<16xi32>
          tpu.vector_store_idx %arg11[%add3A_319], %get3A_312 {add = true} : memref<8192xf32, #tpu.memory_space<vmem>>[vector<16xi32>], vector<16xf32>,
          %slice3A_320 = vector.extract_strided_slice %mul3A_93 {offsets = [12], sizes = [1], strides = [1]} : vector<16xi32> to vector<1xi32>
          %squeeze3A_321 = vector.extract %slice3A_320[0] : i32 from vector<1xi32>
          %mul3A_322 = arith.constant 4 : i32
          %mul3A_323 = arith.muli %scan3A_77, %mul3A_322 : i32
          %add3A_324 = arith.constant 3 : i32
          %add3A_325 = arith.addi %mul3A_323, %add3A_324 : i32
          %get3A_326 = arith.index_cast %add3A_325 : i32 to index
          %get3A_327 = arith.constant 0 : index
          %get3A_328 = tpu.vector_load %arg9[%get3A_326, %get3A_327] {strides = array<i32>} : memref<160x128xf32, #tpu.memory_space<vmem>>, vector<16xf32>,
          %get3A_329 = arith.index_cast %add3A_325 : i32 to index
          %get3A_330 = arith.constant 16 : index
          %get3A_331 = tpu.vector_load %arg9[%get3A_329, %get3A_330] {strides = array<i32>} : memref<160x128xf32, #tpu.memory_space<vmem>>, vector<16xf32>,
          %add3A_332 = vector.broadcast %squeeze3A_321 : i32 to vector<16xi32>
          %add3A_333 = arith.addi %add3A_332, %iota3A : vector<16xi32>
          tpu.vector_store_idx %arg11[%add3A_333], %get3A_328 {add = true} : memref<8192xf32, #tpu.memory_space<vmem>>[vector<16xi32>], vector<16xf32>,
          %add3A_334 = arith.constant 16 : i32
          %add3A_335 = vector.broadcast %add3A_334 : i32 to vector<16xi32>
          %add3A_336 = arith.addi %iota3A, %add3A_335 : vector<16xi32>
          %add3A_337 = vector.broadcast %squeeze3A_321 : i32 to vector<16xi32>
          %add3A_338 = arith.addi %add3A_337, %add3A_336 : vector<16xi32>
          tpu.vector_store_idx %arg11[%add3A_338], %get3A_331 {add = true} : memref<8192xf32, #tpu.memory_space<vmem>>[vector<16xi32>], vector<16xf32>,
          %slice3A_339 = vector.extract_strided_slice %mul3A_93 {offsets = [13], sizes = [1], strides = [1]} : vector<16xi32> to vector<1xi32>
          %squeeze3A_340 = vector.extract %slice3A_339[0] : i32 from vector<1xi32>
          %mul3A_341 = arith.constant 4 : i32
          %mul3A_342 = arith.muli %scan3A_77, %mul3A_341 : i32
          %add3A_343 = arith.constant 3 : i32
          %add3A_344 = arith.addi %mul3A_342, %add3A_343 : i32
          %get3A_345 = arith.index_cast %add3A_344 : i32 to index
          %get3A_346 = arith.constant 32 : index
          %get3A_347 = tpu.vector_load %arg9[%get3A_345, %get3A_346] {strides = array<i32>} : memref<160x128xf32, #tpu.memory_space<vmem>>, vector<16xf32>,
          %get3A_348 = arith.index_cast %add3A_344 : i32 to index
          %get3A_349 = arith.constant 48 : index
          %get3A_350 = tpu.vector_load %arg9[%get3A_348, %get3A_349] {strides = array<i32>} : memref<160x128xf32, #tpu.memory_space<vmem>>, vector<16xf32>,
          %add3A_351 = vector.broadcast %squeeze3A_340 : i32 to vector<16xi32>
          %add3A_352 = arith.addi %add3A_351, %iota3A : vector<16xi32>
          tpu.vector_store_idx %arg11[%add3A_352], %get3A_347 {add = true} : memref<8192xf32, #tpu.memory_space<vmem>>[vector<16xi32>], vector<16xf32>,
          %add3A_353 = arith.constant 16 : i32
          %add3A_354 = vector.broadcast %add3A_353 : i32 to vector<16xi32>
          %add3A_355 = arith.addi %iota3A, %add3A_354 : vector<16xi32>
          %add3A_356 = vector.broadcast %squeeze3A_340 : i32 to vector<16xi32>
          %add3A_357 = arith.addi %add3A_356, %add3A_355 : vector<16xi32>
          tpu.vector_store_idx %arg11[%add3A_357], %get3A_350 {add = true} : memref<8192xf32, #tpu.memory_space<vmem>>[vector<16xi32>], vector<16xf32>,
          %slice3A_358 = vector.extract_strided_slice %mul3A_93 {offsets = [14], sizes = [1], strides = [1]} : vector<16xi32> to vector<1xi32>
          %squeeze3A_359 = vector.extract %slice3A_358[0] : i32 from vector<1xi32>
          %mul3A_360 = arith.constant 4 : i32
          %mul3A_361 = arith.muli %scan3A_77, %mul3A_360 : i32
          %add3A_362 = arith.constant 3 : i32
          %add3A_363 = arith.addi %mul3A_361, %add3A_362 : i32
          %get3A_364 = arith.index_cast %add3A_363 : i32 to index
          %get3A_365 = arith.constant 64 : index
          %get3A_366 = tpu.vector_load %arg9[%get3A_364, %get3A_365] {strides = array<i32>} : memref<160x128xf32, #tpu.memory_space<vmem>>, vector<16xf32>,
          %get3A_367 = arith.index_cast %add3A_363 : i32 to index
          %get3A_368 = arith.constant 80 : index
          %get3A_369 = tpu.vector_load %arg9[%get3A_367, %get3A_368] {strides = array<i32>} : memref<160x128xf32, #tpu.memory_space<vmem>>, vector<16xf32>,
          %add3A_370 = vector.broadcast %squeeze3A_359 : i32 to vector<16xi32>
          %add3A_371 = arith.addi %add3A_370, %iota3A : vector<16xi32>
          tpu.vector_store_idx %arg11[%add3A_371], %get3A_366 {add = true} : memref<8192xf32, #tpu.memory_space<vmem>>[vector<16xi32>], vector<16xf32>,
          %add3A_372 = arith.constant 16 : i32
          %add3A_373 = vector.broadcast %add3A_372 : i32 to vector<16xi32>
          %add3A_374 = arith.addi %iota3A, %add3A_373 : vector<16xi32>
          %add3A_375 = vector.broadcast %squeeze3A_359 : i32 to vector<16xi32>
          %add3A_376 = arith.addi %add3A_375, %add3A_374 : vector<16xi32>
          tpu.vector_store_idx %arg11[%add3A_376], %get3A_369 {add = true} : memref<8192xf32, #tpu.memory_space<vmem>>[vector<16xi32>], vector<16xf32>,
          %slice3A_377 = vector.extract_strided_slice %mul3A_93 {offsets = [15], sizes = [1], strides = [1]} : vector<16xi32> to vector<1xi32>
          %squeeze3A_378 = vector.extract %slice3A_377[0] : i32 from vector<1xi32>
          %mul3A_379 = arith.constant 4 : i32
          %mul3A_380 = arith.muli %scan3A_77, %mul3A_379 : i32
          %add3A_381 = arith.constant 3 : i32
          %add3A_382 = arith.addi %mul3A_380, %add3A_381 : i32
          %get3A_383 = arith.index_cast %add3A_382 : i32 to index
          %get3A_384 = arith.constant 96 : index
          %get3A_385 = tpu.vector_load %arg9[%get3A_383, %get3A_384] {strides = array<i32>} : memref<160x128xf32, #tpu.memory_space<vmem>>, vector<16xf32>,
          %get3A_386 = arith.index_cast %add3A_382 : i32 to index
          %get3A_387 = arith.constant 112 : index
          %get3A_388 = tpu.vector_load %arg9[%get3A_386, %get3A_387] {strides = array<i32>} : memref<160x128xf32, #tpu.memory_space<vmem>>, vector<16xf32>,
          %add3A_389 = vector.broadcast %squeeze3A_378 : i32 to vector<16xi32>
          %add3A_390 = arith.addi %add3A_389, %iota3A : vector<16xi32>
          tpu.vector_store_idx %arg11[%add3A_390], %get3A_385 {add = true} : memref<8192xf32, #tpu.memory_space<vmem>>[vector<16xi32>], vector<16xf32>,
          %add3A_391 = arith.constant 16 : i32
          %add3A_392 = vector.broadcast %add3A_391 : i32 to vector<16xi32>
          %add3A_393 = arith.addi %iota3A, %add3A_392 : vector<16xi32>
          %add3A_394 = vector.broadcast %squeeze3A_378 : i32 to vector<16xi32>
          %add3A_395 = arith.addi %add3A_394, %add3A_393 : vector<16xi32>
          tpu.vector_store_idx %arg11[%add3A_395], %get3A_388 {add = true} : memref<8192xf32, #tpu.memory_space<vmem>>[vector<16xi32>], vector<16xf32>,
        }
        %scan3A_76 = arith.constant 40 : i32
      } else {
      }
      %add3A_38 = arith.constant 1 : i32
      %add3A_39 = arith.addi %mul3A_23, %add3A_38 : i32
      %add3A_40 = arith.constant 2 : i32
      %add3A_41 = arith.addi %mul3A_23, %add3A_40 : i32
      %mul3A_42 = arith.constant 32 : i32
      %mul3A_43 = arith.muli %add3A_39, %mul3A_42 : i32
      %add3A_44 = arith.addi %mul3A_43, %add3A : i32
      %mul3A_45 = arith.constant 640 : i32
      %mul3A_46 = arith.muli %add3A_44, %mul3A_45 : i32
      %mul3A_47 = arith.constant 160 : i32
      %mul3A_48 = arith.muli %add3A_44, %mul3A_47 : i32
      %lt3A_49 = arith.constant 2500 : i32
      %lt3A_50 = arith.cmpi slt, %add3A_44, %lt3A_49 : i32
      %convert_element_type3A_51 = arith.extui %lt3A_50 : i1 to i32
      %cond3A_52 = arith.constant 0 : i32
      %cond3A_53 = arith.cmpi ne, %convert_element_type3A_51, %cond3A_52 : i32
      scf.if %cond3A_53 {
        %dma_wait3A = tpu.memref_slice %arg2[%mul3A_46] : memref<1600000xi32, #tpu.memory_space<hbm>> -> memref<640xi32, #tpu.memory_space<hbm>>
        %dma_wait3A_54 = tpu.memref_slice %arg2[%mul3A_46] : memref<1600000xi32, #tpu.memory_space<hbm>> -> memref<640xi32, #tpu.memory_space<hbm>>
        tpu.wait_dma2 semaphore(%arg13 : memref<!tpu.dma_semaphore, #tpu.memory_space<semaphore_mem>>) src(%dma_wait3A_54 : memref<640xi32, #tpu.memory_space<hbm>>) dst(%arg8 : memref<640xi32, #tpu.memory_space<vmem>>)
        %dma_wait3A_55 = arith.constant 0 : i32
        %dma_wait3A_56 = tpu.memref_slice %arg3[%mul3A_48, %dma_wait3A_55] : memref<400000x128xf32, #tpu.memory_space<hbm>> -> memref<160x128xf32, #tpu.memory_space<hbm>>
        %dma_wait3A_57 = arith.constant 0 : i32
        %dma_wait3A_58 = tpu.memref_slice %arg3[%mul3A_48, %dma_wait3A_57] : memref<400000x128xf32, #tpu.memory_space<hbm>> -> memref<160x128xf32, #tpu.memory_space<hbm>>
        tpu.wait_dma2 semaphore(%arg13 : memref<!tpu.dma_semaphore, #tpu.memory_space<semaphore_mem>>) src(%dma_wait3A_58 : memref<160x128xf32, #tpu.memory_space<hbm>>) dst(%arg10 : memref<160x128xf32, #tpu.memory_space<vmem>>)
        %mul3A_59 = arith.constant 32 : i32
        %mul3A_60 = arith.muli %add3A_41, %mul3A_59 : i32
        %add3A_61 = arith.addi %mul3A_60, %add3A : i32
        %mul3A_62 = arith.constant 640 : i32
        %mul3A_63 = arith.muli %add3A_61, %mul3A_62 : i32
        %mul3A_64 = arith.constant 160 : i32
        %mul3A_65 = arith.muli %add3A_61, %mul3A_64 : i32
        %lt3A_66 = arith.constant 2500 : i32
        %lt3A_67 = arith.cmpi slt, %add3A_61, %lt3A_66 : i32
        %convert_element_type3A_68 = arith.extui %lt3A_67 : i1 to i32
        %cond3A_69 = arith.constant 0 : i32
        %cond3A_70 = arith.cmpi ne, %convert_element_type3A_68, %cond3A_69 : i32
        scf.if %cond3A_70 {
          %dma_start3A = tpu.memref_slice %arg2[%mul3A_63] : memref<1600000xi32, #tpu.memory_space<hbm>> -> memref<640xi32, #tpu.memory_space<hbm>>
          %dma_start3A_77 = tpu.memref_slice %arg2[%mul3A_63] : memref<1600000xi32, #tpu.memory_space<hbm>> -> memref<640xi32, #tpu.memory_space<hbm>>
          tpu.enqueue_dma source(%dma_start3A_77 : memref<640xi32, #tpu.memory_space<hbm>>) target(%arg7 : memref<640xi32, #tpu.memory_space<vmem>>) target_semaphore(%arg12 : memref<!tpu.dma_semaphore, #tpu.memory_space<semaphore_mem>>)
          %dma_start3A_78 = arith.constant 0 : i32
          %dma_start3A_79 = tpu.memref_slice %arg3[%mul3A_65, %dma_start3A_78] : memref<400000x128xf32, #tpu.memory_space<hbm>> -> memref<160x128xf32, #tpu.memory_space<hbm>>
          %dma_start3A_80 = arith.constant 0 : i32
          %dma_start3A_81 = tpu.memref_slice %arg3[%mul3A_65, %dma_start3A_80] : memref<400000x128xf32, #tpu.memory_space<hbm>> -> memref<160x128xf32, #tpu.memory_space<hbm>>
          tpu.enqueue_dma source(%dma_start3A_81 : memref<160x128xf32, #tpu.memory_space<hbm>>) target(%arg9 : memref<160x128xf32, #tpu.memory_space<vmem>>) target_semaphore(%arg12 : memref<!tpu.dma_semaphore, #tpu.memory_space<semaphore_mem>>)
        } else {
        }
        %scan3A_71 = arith.constant 0 : i32
        %scan3A_72 = arith.constant 0 : i32
        %scan3A_73 = arith.constant 40 : i32
        %scan3A_74 = arith.addi %scan3A_72, %scan3A_73 : i32
        %scan3A_75 = arith.constant 1 : i32
        scf.for %scan3A_77 = %scan3A_72 to %scan3A_74 step %scan3A_75  : i32 {
          %mul3A_78 = arith.constant 16 : i32
          %mul3A_79 = arith.muli %scan3A_77, %mul3A_78 : i32
          %get3A = arith.index_cast %mul3A_79 : i32 to index
          %get3A_80 = tpu.vector_load %arg8[%get3A] {strides = array<i32>} : memref<640xi32, #tpu.memory_space<vmem>>, vector<16xi32>,
          %shift_right_arithmetic3A = arith.constant 2 : i32
          %shift_right_arithmetic3A_81 = vector.broadcast %shift_right_arithmetic3A : i32 to vector<16xi32>
          %shift_right_arithmetic3A_82 = arith.shrsi %get3A_80, %shift_right_arithmetic3A_81 : vector<16xi32>
          %gather3A = tpu.vector_load_idx %arg6[%shift_right_arithmetic3A_82] : memref<25000xi32, #tpu.memory_space<vmem>>[vector<16xi32>], vector<16xi32>,
          %and3A = arith.constant 3 : i32
          %and3A_83 = vector.broadcast %and3A : i32 to vector<16xi32>
          %and3A_84 = arith.andi %get3A_80, %and3A_83 : vector<16xi32>
          %shift_left3A = arith.constant 3 : i32
          %shift_left3A_85 = vector.broadcast %shift_left3A : i32 to vector<16xi32>
          %shift_left3A_86 = arith.shli %and3A_84, %shift_left3A_85 : vector<16xi32>
          %shift_right_arithmetic3A_87 = arith.shrsi %gather3A, %shift_left3A_86 : vector<16xi32>
          %and3A_88 = arith.constant 255 : i32
          %and3A_89 = vector.broadcast %and3A_88 : i32 to vector<16xi32>
          %and3A_90 = arith.andi %shift_right_arithmetic3A_87, %and3A_89 : vector<16xi32>
          %mul3A_91 = arith.constant 32 : i32
          %mul3A_92 = vector.broadcast %mul3A_91 : i32 to vector<16xi32>
          %mul3A_93 = arith.muli %and3A_90, %mul3A_92 : vector<16xi32>
          %slice3A = vector.extract_strided_slice %mul3A_93 {offsets = [0], sizes = [1], strides = [1]} : vector<16xi32> to vector<1xi32>
          %squeeze3A = vector.extract %slice3A[0] : i32 from vector<1xi32>
          %mul3A_94 = arith.constant 4 : i32
          %mul3A_95 = arith.muli %scan3A_77, %mul3A_94 : i32
          %add3A_96 = arith.constant 0 : i32
          %add3A_97 = arith.addi %mul3A_95, %add3A_96 : i32
          %get3A_98 = arith.index_cast %add3A_97 : i32 to index
          %get3A_99 = arith.constant 0 : index
          %get3A_100 = tpu.vector_load %arg10[%get3A_98, %get3A_99] {strides = array<i32>} : memref<160x128xf32, #tpu.memory_space<vmem>>, vector<16xf32>,
          %get3A_101 = arith.index_cast %add3A_97 : i32 to index
          %get3A_102 = arith.constant 16 : index
          %get3A_103 = tpu.vector_load %arg10[%get3A_101, %get3A_102] {strides = array<i32>} : memref<160x128xf32, #tpu.memory_space<vmem>>, vector<16xf32>,
          %add3A_104 = vector.broadcast %squeeze3A : i32 to vector<16xi32>
          %add3A_105 = arith.addi %add3A_104, %iota3A : vector<16xi32>
          tpu.vector_store_idx %arg11[%add3A_105], %get3A_100 {add = true} : memref<8192xf32, #tpu.memory_space<vmem>>[vector<16xi32>], vector<16xf32>,
          %add3A_106 = arith.constant 16 : i32
          %add3A_107 = vector.broadcast %add3A_106 : i32 to vector<16xi32>
          %add3A_108 = arith.addi %iota3A, %add3A_107 : vector<16xi32>
          %add3A_109 = vector.broadcast %squeeze3A : i32 to vector<16xi32>
          %add3A_110 = arith.addi %add3A_109, %add3A_108 : vector<16xi32>
          tpu.vector_store_idx %arg11[%add3A_110], %get3A_103 {add = true} : memref<8192xf32, #tpu.memory_space<vmem>>[vector<16xi32>], vector<16xf32>,
          %slice3A_111 = vector.extract_strided_slice %mul3A_93 {offsets = [1], sizes = [1], strides = [1]} : vector<16xi32> to vector<1xi32>
          %squeeze3A_112 = vector.extract %slice3A_111[0] : i32 from vector<1xi32>
          %mul3A_113 = arith.constant 4 : i32
          %mul3A_114 = arith.muli %scan3A_77, %mul3A_113 : i32
          %add3A_115 = arith.constant 0 : i32
          %add3A_116 = arith.addi %mul3A_114, %add3A_115 : i32
          %get3A_117 = arith.index_cast %add3A_116 : i32 to index
          %get3A_118 = arith.constant 32 : index
          %get3A_119 = tpu.vector_load %arg10[%get3A_117, %get3A_118] {strides = array<i32>} : memref<160x128xf32, #tpu.memory_space<vmem>>, vector<16xf32>,
          %get3A_120 = arith.index_cast %add3A_116 : i32 to index
          %get3A_121 = arith.constant 48 : index
          %get3A_122 = tpu.vector_load %arg10[%get3A_120, %get3A_121] {strides = array<i32>} : memref<160x128xf32, #tpu.memory_space<vmem>>, vector<16xf32>,
          %add3A_123 = vector.broadcast %squeeze3A_112 : i32 to vector<16xi32>
          %add3A_124 = arith.addi %add3A_123, %iota3A : vector<16xi32>
          tpu.vector_store_idx %arg11[%add3A_124], %get3A_119 {add = true} : memref<8192xf32, #tpu.memory_space<vmem>>[vector<16xi32>], vector<16xf32>,
          %add3A_125 = arith.constant 16 : i32
          %add3A_126 = vector.broadcast %add3A_125 : i32 to vector<16xi32>
          %add3A_127 = arith.addi %iota3A, %add3A_126 : vector<16xi32>
          %add3A_128 = vector.broadcast %squeeze3A_112 : i32 to vector<16xi32>
          %add3A_129 = arith.addi %add3A_128, %add3A_127 : vector<16xi32>
          tpu.vector_store_idx %arg11[%add3A_129], %get3A_122 {add = true} : memref<8192xf32, #tpu.memory_space<vmem>>[vector<16xi32>], vector<16xf32>,
          %slice3A_130 = vector.extract_strided_slice %mul3A_93 {offsets = [2], sizes = [1], strides = [1]} : vector<16xi32> to vector<1xi32>
          %squeeze3A_131 = vector.extract %slice3A_130[0] : i32 from vector<1xi32>
          %mul3A_132 = arith.constant 4 : i32
          %mul3A_133 = arith.muli %scan3A_77, %mul3A_132 : i32
          %add3A_134 = arith.constant 0 : i32
          %add3A_135 = arith.addi %mul3A_133, %add3A_134 : i32
          %get3A_136 = arith.index_cast %add3A_135 : i32 to index
          %get3A_137 = arith.constant 64 : index
          %get3A_138 = tpu.vector_load %arg10[%get3A_136, %get3A_137] {strides = array<i32>} : memref<160x128xf32, #tpu.memory_space<vmem>>, vector<16xf32>,
          %get3A_139 = arith.index_cast %add3A_135 : i32 to index
          %get3A_140 = arith.constant 80 : index
          %get3A_141 = tpu.vector_load %arg10[%get3A_139, %get3A_140] {strides = array<i32>} : memref<160x128xf32, #tpu.memory_space<vmem>>, vector<16xf32>,
          %add3A_142 = vector.broadcast %squeeze3A_131 : i32 to vector<16xi32>
          %add3A_143 = arith.addi %add3A_142, %iota3A : vector<16xi32>
          tpu.vector_store_idx %arg11[%add3A_143], %get3A_138 {add = true} : memref<8192xf32, #tpu.memory_space<vmem>>[vector<16xi32>], vector<16xf32>,
          %add3A_144 = arith.constant 16 : i32
          %add3A_145 = vector.broadcast %add3A_144 : i32 to vector<16xi32>
          %add3A_146 = arith.addi %iota3A, %add3A_145 : vector<16xi32>
          %add3A_147 = vector.broadcast %squeeze3A_131 : i32 to vector<16xi32>
          %add3A_148 = arith.addi %add3A_147, %add3A_146 : vector<16xi32>
          tpu.vector_store_idx %arg11[%add3A_148], %get3A_141 {add = true} : memref<8192xf32, #tpu.memory_space<vmem>>[vector<16xi32>], vector<16xf32>,
          %slice3A_149 = vector.extract_strided_slice %mul3A_93 {offsets = [3], sizes = [1], strides = [1]} : vector<16xi32> to vector<1xi32>
          %squeeze3A_150 = vector.extract %slice3A_149[0] : i32 from vector<1xi32>
          %mul3A_151 = arith.constant 4 : i32
          %mul3A_152 = arith.muli %scan3A_77, %mul3A_151 : i32
          %add3A_153 = arith.constant 0 : i32
          %add3A_154 = arith.addi %mul3A_152, %add3A_153 : i32
          %get3A_155 = arith.index_cast %add3A_154 : i32 to index
          %get3A_156 = arith.constant 96 : index
          %get3A_157 = tpu.vector_load %arg10[%get3A_155, %get3A_156] {strides = array<i32>} : memref<160x128xf32, #tpu.memory_space<vmem>>, vector<16xf32>,
          %get3A_158 = arith.index_cast %add3A_154 : i32 to index
          %get3A_159 = arith.constant 112 : index
          %get3A_160 = tpu.vector_load %arg10[%get3A_158, %get3A_159] {strides = array<i32>} : memref<160x128xf32, #tpu.memory_space<vmem>>, vector<16xf32>,
          %add3A_161 = vector.broadcast %squeeze3A_150 : i32 to vector<16xi32>
          %add3A_162 = arith.addi %add3A_161, %iota3A : vector<16xi32>
          tpu.vector_store_idx %arg11[%add3A_162], %get3A_157 {add = true} : memref<8192xf32, #tpu.memory_space<vmem>>[vector<16xi32>], vector<16xf32>,
          %add3A_163 = arith.constant 16 : i32
          %add3A_164 = vector.broadcast %add3A_163 : i32 to vector<16xi32>
          %add3A_165 = arith.addi %iota3A, %add3A_164 : vector<16xi32>
          %add3A_166 = vector.broadcast %squeeze3A_150 : i32 to vector<16xi32>
          %add3A_167 = arith.addi %add3A_166, %add3A_165 : vector<16xi32>
          tpu.vector_store_idx %arg11[%add3A_167], %get3A_160 {add = true} : memref<8192xf32, #tpu.memory_space<vmem>>[vector<16xi32>], vector<16xf32>,
          %slice3A_168 = vector.extract_strided_slice %mul3A_93 {offsets = [4], sizes = [1], strides = [1]} : vector<16xi32> to vector<1xi32>
          %squeeze3A_169 = vector.extract %slice3A_168[0] : i32 from vector<1xi32>
          %mul3A_170 = arith.constant 4 : i32
          %mul3A_171 = arith.muli %scan3A_77, %mul3A_170 : i32
          %add3A_172 = arith.constant 1 : i32
          %add3A_173 = arith.addi %mul3A_171, %add3A_172 : i32
          %get3A_174 = arith.index_cast %add3A_173 : i32 to index
          %get3A_175 = arith.constant 0 : index
          %get3A_176 = tpu.vector_load %arg10[%get3A_174, %get3A_175] {strides = array<i32>} : memref<160x128xf32, #tpu.memory_space<vmem>>, vector<16xf32>,
          %get3A_177 = arith.index_cast %add3A_173 : i32 to index
          %get3A_178 = arith.constant 16 : index
          %get3A_179 = tpu.vector_load %arg10[%get3A_177, %get3A_178] {strides = array<i32>} : memref<160x128xf32, #tpu.memory_space<vmem>>, vector<16xf32>,
          %add3A_180 = vector.broadcast %squeeze3A_169 : i32 to vector<16xi32>
          %add3A_181 = arith.addi %add3A_180, %iota3A : vector<16xi32>
          tpu.vector_store_idx %arg11[%add3A_181], %get3A_176 {add = true} : memref<8192xf32, #tpu.memory_space<vmem>>[vector<16xi32>], vector<16xf32>,
          %add3A_182 = arith.constant 16 : i32
          %add3A_183 = vector.broadcast %add3A_182 : i32 to vector<16xi32>
          %add3A_184 = arith.addi %iota3A, %add3A_183 : vector<16xi32>
          %add3A_185 = vector.broadcast %squeeze3A_169 : i32 to vector<16xi32>
          %add3A_186 = arith.addi %add3A_185, %add3A_184 : vector<16xi32>
          tpu.vector_store_idx %arg11[%add3A_186], %get3A_179 {add = true} : memref<8192xf32, #tpu.memory_space<vmem>>[vector<16xi32>], vector<16xf32>,
          %slice3A_187 = vector.extract_strided_slice %mul3A_93 {offsets = [5], sizes = [1], strides = [1]} : vector<16xi32> to vector<1xi32>
          %squeeze3A_188 = vector.extract %slice3A_187[0] : i32 from vector<1xi32>
          %mul3A_189 = arith.constant 4 : i32
          %mul3A_190 = arith.muli %scan3A_77, %mul3A_189 : i32
          %add3A_191 = arith.constant 1 : i32
          %add3A_192 = arith.addi %mul3A_190, %add3A_191 : i32
          %get3A_193 = arith.index_cast %add3A_192 : i32 to index
          %get3A_194 = arith.constant 32 : index
          %get3A_195 = tpu.vector_load %arg10[%get3A_193, %get3A_194] {strides = array<i32>} : memref<160x128xf32, #tpu.memory_space<vmem>>, vector<16xf32>,
          %get3A_196 = arith.index_cast %add3A_192 : i32 to index
          %get3A_197 = arith.constant 48 : index
          %get3A_198 = tpu.vector_load %arg10[%get3A_196, %get3A_197] {strides = array<i32>} : memref<160x128xf32, #tpu.memory_space<vmem>>, vector<16xf32>,
          %add3A_199 = vector.broadcast %squeeze3A_188 : i32 to vector<16xi32>
          %add3A_200 = arith.addi %add3A_199, %iota3A : vector<16xi32>
          tpu.vector_store_idx %arg11[%add3A_200], %get3A_195 {add = true} : memref<8192xf32, #tpu.memory_space<vmem>>[vector<16xi32>], vector<16xf32>,
          %add3A_201 = arith.constant 16 : i32
          %add3A_202 = vector.broadcast %add3A_201 : i32 to vector<16xi32>
          %add3A_203 = arith.addi %iota3A, %add3A_202 : vector<16xi32>
          %add3A_204 = vector.broadcast %squeeze3A_188 : i32 to vector<16xi32>
          %add3A_205 = arith.addi %add3A_204, %add3A_203 : vector<16xi32>
          tpu.vector_store_idx %arg11[%add3A_205], %get3A_198 {add = true} : memref<8192xf32, #tpu.memory_space<vmem>>[vector<16xi32>], vector<16xf32>,
          %slice3A_206 = vector.extract_strided_slice %mul3A_93 {offsets = [6], sizes = [1], strides = [1]} : vector<16xi32> to vector<1xi32>
          %squeeze3A_207 = vector.extract %slice3A_206[0] : i32 from vector<1xi32>
          %mul3A_208 = arith.constant 4 : i32
          %mul3A_209 = arith.muli %scan3A_77, %mul3A_208 : i32
          %add3A_210 = arith.constant 1 : i32
          %add3A_211 = arith.addi %mul3A_209, %add3A_210 : i32
          %get3A_212 = arith.index_cast %add3A_211 : i32 to index
          %get3A_213 = arith.constant 64 : index
          %get3A_214 = tpu.vector_load %arg10[%get3A_212, %get3A_213] {strides = array<i32>} : memref<160x128xf32, #tpu.memory_space<vmem>>, vector<16xf32>,
          %get3A_215 = arith.index_cast %add3A_211 : i32 to index
          %get3A_216 = arith.constant 80 : index
          %get3A_217 = tpu.vector_load %arg10[%get3A_215, %get3A_216] {strides = array<i32>} : memref<160x128xf32, #tpu.memory_space<vmem>>, vector<16xf32>,
          %add3A_218 = vector.broadcast %squeeze3A_207 : i32 to vector<16xi32>
          %add3A_219 = arith.addi %add3A_218, %iota3A : vector<16xi32>
          tpu.vector_store_idx %arg11[%add3A_219], %get3A_214 {add = true} : memref<8192xf32, #tpu.memory_space<vmem>>[vector<16xi32>], vector<16xf32>,
          %add3A_220 = arith.constant 16 : i32
          %add3A_221 = vector.broadcast %add3A_220 : i32 to vector<16xi32>
          %add3A_222 = arith.addi %iota3A, %add3A_221 : vector<16xi32>
          %add3A_223 = vector.broadcast %squeeze3A_207 : i32 to vector<16xi32>
          %add3A_224 = arith.addi %add3A_223, %add3A_222 : vector<16xi32>
          tpu.vector_store_idx %arg11[%add3A_224], %get3A_217 {add = true} : memref<8192xf32, #tpu.memory_space<vmem>>[vector<16xi32>], vector<16xf32>,
          %slice3A_225 = vector.extract_strided_slice %mul3A_93 {offsets = [7], sizes = [1], strides = [1]} : vector<16xi32> to vector<1xi32>
          %squeeze3A_226 = vector.extract %slice3A_225[0] : i32 from vector<1xi32>
          %mul3A_227 = arith.constant 4 : i32
          %mul3A_228 = arith.muli %scan3A_77, %mul3A_227 : i32
          %add3A_229 = arith.constant 1 : i32
          %add3A_230 = arith.addi %mul3A_228, %add3A_229 : i32
          %get3A_231 = arith.index_cast %add3A_230 : i32 to index
          %get3A_232 = arith.constant 96 : index
          %get3A_233 = tpu.vector_load %arg10[%get3A_231, %get3A_232] {strides = array<i32>} : memref<160x128xf32, #tpu.memory_space<vmem>>, vector<16xf32>,
          %get3A_234 = arith.index_cast %add3A_230 : i32 to index
          %get3A_235 = arith.constant 112 : index
          %get3A_236 = tpu.vector_load %arg10[%get3A_234, %get3A_235] {strides = array<i32>} : memref<160x128xf32, #tpu.memory_space<vmem>>, vector<16xf32>,
          %add3A_237 = vector.broadcast %squeeze3A_226 : i32 to vector<16xi32>
          %add3A_238 = arith.addi %add3A_237, %iota3A : vector<16xi32>
          tpu.vector_store_idx %arg11[%add3A_238], %get3A_233 {add = true} : memref<8192xf32, #tpu.memory_space<vmem>>[vector<16xi32>], vector<16xf32>,
          %add3A_239 = arith.constant 16 : i32
          %add3A_240 = vector.broadcast %add3A_239 : i32 to vector<16xi32>
          %add3A_241 = arith.addi %iota3A, %add3A_240 : vector<16xi32>
          %add3A_242 = vector.broadcast %squeeze3A_226 : i32 to vector<16xi32>
          %add3A_243 = arith.addi %add3A_242, %add3A_241 : vector<16xi32>
          tpu.vector_store_idx %arg11[%add3A_243], %get3A_236 {add = true} : memref<8192xf32, #tpu.memory_space<vmem>>[vector<16xi32>], vector<16xf32>,
          %slice3A_244 = vector.extract_strided_slice %mul3A_93 {offsets = [8], sizes = [1], strides = [1]} : vector<16xi32> to vector<1xi32>
          %squeeze3A_245 = vector.extract %slice3A_244[0] : i32 from vector<1xi32>
          %mul3A_246 = arith.constant 4 : i32
          %mul3A_247 = arith.muli %scan3A_77, %mul3A_246 : i32
          %add3A_248 = arith.constant 2 : i32
          %add3A_249 = arith.addi %mul3A_247, %add3A_248 : i32
          %get3A_250 = arith.index_cast %add3A_249 : i32 to index
          %get3A_251 = arith.constant 0 : index
          %get3A_252 = tpu.vector_load %arg10[%get3A_250, %get3A_251] {strides = array<i32>} : memref<160x128xf32, #tpu.memory_space<vmem>>, vector<16xf32>,
          %get3A_253 = arith.index_cast %add3A_249 : i32 to index
          %get3A_254 = arith.constant 16 : index
          %get3A_255 = tpu.vector_load %arg10[%get3A_253, %get3A_254] {strides = array<i32>} : memref<160x128xf32, #tpu.memory_space<vmem>>, vector<16xf32>,
          %add3A_256 = vector.broadcast %squeeze3A_245 : i32 to vector<16xi32>
          %add3A_257 = arith.addi %add3A_256, %iota3A : vector<16xi32>
          tpu.vector_store_idx %arg11[%add3A_257], %get3A_252 {add = true} : memref<8192xf32, #tpu.memory_space<vmem>>[vector<16xi32>], vector<16xf32>,
          %add3A_258 = arith.constant 16 : i32
          %add3A_259 = vector.broadcast %add3A_258 : i32 to vector<16xi32>
          %add3A_260 = arith.addi %iota3A, %add3A_259 : vector<16xi32>
          %add3A_261 = vector.broadcast %squeeze3A_245 : i32 to vector<16xi32>
          %add3A_262 = arith.addi %add3A_261, %add3A_260 : vector<16xi32>
          tpu.vector_store_idx %arg11[%add3A_262], %get3A_255 {add = true} : memref<8192xf32, #tpu.memory_space<vmem>>[vector<16xi32>], vector<16xf32>,
          %slice3A_263 = vector.extract_strided_slice %mul3A_93 {offsets = [9], sizes = [1], strides = [1]} : vector<16xi32> to vector<1xi32>
          %squeeze3A_264 = vector.extract %slice3A_263[0] : i32 from vector<1xi32>
          %mul3A_265 = arith.constant 4 : i32
          %mul3A_266 = arith.muli %scan3A_77, %mul3A_265 : i32
          %add3A_267 = arith.constant 2 : i32
          %add3A_268 = arith.addi %mul3A_266, %add3A_267 : i32
          %get3A_269 = arith.index_cast %add3A_268 : i32 to index
          %get3A_270 = arith.constant 32 : index
          %get3A_271 = tpu.vector_load %arg10[%get3A_269, %get3A_270] {strides = array<i32>} : memref<160x128xf32, #tpu.memory_space<vmem>>, vector<16xf32>,
          %get3A_272 = arith.index_cast %add3A_268 : i32 to index
          %get3A_273 = arith.constant 48 : index
          %get3A_274 = tpu.vector_load %arg10[%get3A_272, %get3A_273] {strides = array<i32>} : memref<160x128xf32, #tpu.memory_space<vmem>>, vector<16xf32>,
          %add3A_275 = vector.broadcast %squeeze3A_264 : i32 to vector<16xi32>
          %add3A_276 = arith.addi %add3A_275, %iota3A : vector<16xi32>
          tpu.vector_store_idx %arg11[%add3A_276], %get3A_271 {add = true} : memref<8192xf32, #tpu.memory_space<vmem>>[vector<16xi32>], vector<16xf32>,
          %add3A_277 = arith.constant 16 : i32
          %add3A_278 = vector.broadcast %add3A_277 : i32 to vector<16xi32>
          %add3A_279 = arith.addi %iota3A, %add3A_278 : vector<16xi32>
          %add3A_280 = vector.broadcast %squeeze3A_264 : i32 to vector<16xi32>
          %add3A_281 = arith.addi %add3A_280, %add3A_279 : vector<16xi32>
          tpu.vector_store_idx %arg11[%add3A_281], %get3A_274 {add = true} : memref<8192xf32, #tpu.memory_space<vmem>>[vector<16xi32>], vector<16xf32>,
          %slice3A_282 = vector.extract_strided_slice %mul3A_93 {offsets = [10], sizes = [1], strides = [1]} : vector<16xi32> to vector<1xi32>
          %squeeze3A_283 = vector.extract %slice3A_282[0] : i32 from vector<1xi32>
          %mul3A_284 = arith.constant 4 : i32
          %mul3A_285 = arith.muli %scan3A_77, %mul3A_284 : i32
          %add3A_286 = arith.constant 2 : i32
          %add3A_287 = arith.addi %mul3A_285, %add3A_286 : i32
          %get3A_288 = arith.index_cast %add3A_287 : i32 to index
          %get3A_289 = arith.constant 64 : index
          %get3A_290 = tpu.vector_load %arg10[%get3A_288, %get3A_289] {strides = array<i32>} : memref<160x128xf32, #tpu.memory_space<vmem>>, vector<16xf32>,
          %get3A_291 = arith.index_cast %add3A_287 : i32 to index
          %get3A_292 = arith.constant 80 : index
          %get3A_293 = tpu.vector_load %arg10[%get3A_291, %get3A_292] {strides = array<i32>} : memref<160x128xf32, #tpu.memory_space<vmem>>, vector<16xf32>,
          %add3A_294 = vector.broadcast %squeeze3A_283 : i32 to vector<16xi32>
          %add3A_295 = arith.addi %add3A_294, %iota3A : vector<16xi32>
          tpu.vector_store_idx %arg11[%add3A_295], %get3A_290 {add = true} : memref<8192xf32, #tpu.memory_space<vmem>>[vector<16xi32>], vector<16xf32>,
          %add3A_296 = arith.constant 16 : i32
          %add3A_297 = vector.broadcast %add3A_296 : i32 to vector<16xi32>
          %add3A_298 = arith.addi %iota3A, %add3A_297 : vector<16xi32>
          %add3A_299 = vector.broadcast %squeeze3A_283 : i32 to vector<16xi32>
          %add3A_300 = arith.addi %add3A_299, %add3A_298 : vector<16xi32>
          tpu.vector_store_idx %arg11[%add3A_300], %get3A_293 {add = true} : memref<8192xf32, #tpu.memory_space<vmem>>[vector<16xi32>], vector<16xf32>,
          %slice3A_301 = vector.extract_strided_slice %mul3A_93 {offsets = [11], sizes = [1], strides = [1]} : vector<16xi32> to vector<1xi32>
          %squeeze3A_302 = vector.extract %slice3A_301[0] : i32 from vector<1xi32>
          %mul3A_303 = arith.constant 4 : i32
          %mul3A_304 = arith.muli %scan3A_77, %mul3A_303 : i32
          %add3A_305 = arith.constant 2 : i32
          %add3A_306 = arith.addi %mul3A_304, %add3A_305 : i32
          %get3A_307 = arith.index_cast %add3A_306 : i32 to index
          %get3A_308 = arith.constant 96 : index
          %get3A_309 = tpu.vector_load %arg10[%get3A_307, %get3A_308] {strides = array<i32>} : memref<160x128xf32, #tpu.memory_space<vmem>>, vector<16xf32>,
          %get3A_310 = arith.index_cast %add3A_306 : i32 to index
          %get3A_311 = arith.constant 112 : index
          %get3A_312 = tpu.vector_load %arg10[%get3A_310, %get3A_311] {strides = array<i32>} : memref<160x128xf32, #tpu.memory_space<vmem>>, vector<16xf32>,
          %add3A_313 = vector.broadcast %squeeze3A_302 : i32 to vector<16xi32>
          %add3A_314 = arith.addi %add3A_313, %iota3A : vector<16xi32>
          tpu.vector_store_idx %arg11[%add3A_314], %get3A_309 {add = true} : memref<8192xf32, #tpu.memory_space<vmem>>[vector<16xi32>], vector<16xf32>,
          %add3A_315 = arith.constant 16 : i32
          %add3A_316 = vector.broadcast %add3A_315 : i32 to vector<16xi32>
          %add3A_317 = arith.addi %iota3A, %add3A_316 : vector<16xi32>
          %add3A_318 = vector.broadcast %squeeze3A_302 : i32 to vector<16xi32>
          %add3A_319 = arith.addi %add3A_318, %add3A_317 : vector<16xi32>
          tpu.vector_store_idx %arg11[%add3A_319], %get3A_312 {add = true} : memref<8192xf32, #tpu.memory_space<vmem>>[vector<16xi32>], vector<16xf32>,
          %slice3A_320 = vector.extract_strided_slice %mul3A_93 {offsets = [12], sizes = [1], strides = [1]} : vector<16xi32> to vector<1xi32>
          %squeeze3A_321 = vector.extract %slice3A_320[0] : i32 from vector<1xi32>
          %mul3A_322 = arith.constant 4 : i32
          %mul3A_323 = arith.muli %scan3A_77, %mul3A_322 : i32
          %add3A_324 = arith.constant 3 : i32
          %add3A_325 = arith.addi %mul3A_323, %add3A_324 : i32
          %get3A_326 = arith.index_cast %add3A_325 : i32 to index
          %get3A_327 = arith.constant 0 : index
          %get3A_328 = tpu.vector_load %arg10[%get3A_326, %get3A_327] {strides = array<i32>} : memref<160x128xf32, #tpu.memory_space<vmem>>, vector<16xf32>,
          %get3A_329 = arith.index_cast %add3A_325 : i32 to index
          %get3A_330 = arith.constant 16 : index
          %get3A_331 = tpu.vector_load %arg10[%get3A_329, %get3A_330] {strides = array<i32>} : memref<160x128xf32, #tpu.memory_space<vmem>>, vector<16xf32>,
          %add3A_332 = vector.broadcast %squeeze3A_321 : i32 to vector<16xi32>
          %add3A_333 = arith.addi %add3A_332, %iota3A : vector<16xi32>
          tpu.vector_store_idx %arg11[%add3A_333], %get3A_328 {add = true} : memref<8192xf32, #tpu.memory_space<vmem>>[vector<16xi32>], vector<16xf32>,
          %add3A_334 = arith.constant 16 : i32
          %add3A_335 = vector.broadcast %add3A_334 : i32 to vector<16xi32>
          %add3A_336 = arith.addi %iota3A, %add3A_335 : vector<16xi32>
          %add3A_337 = vector.broadcast %squeeze3A_321 : i32 to vector<16xi32>
          %add3A_338 = arith.addi %add3A_337, %add3A_336 : vector<16xi32>
          tpu.vector_store_idx %arg11[%add3A_338], %get3A_331 {add = true} : memref<8192xf32, #tpu.memory_space<vmem>>[vector<16xi32>], vector<16xf32>,
          %slice3A_339 = vector.extract_strided_slice %mul3A_93 {offsets = [13], sizes = [1], strides = [1]} : vector<16xi32> to vector<1xi32>
          %squeeze3A_340 = vector.extract %slice3A_339[0] : i32 from vector<1xi32>
          %mul3A_341 = arith.constant 4 : i32
          %mul3A_342 = arith.muli %scan3A_77, %mul3A_341 : i32
          %add3A_343 = arith.constant 3 : i32
          %add3A_344 = arith.addi %mul3A_342, %add3A_343 : i32
          %get3A_345 = arith.index_cast %add3A_344 : i32 to index
          %get3A_346 = arith.constant 32 : index
          %get3A_347 = tpu.vector_load %arg10[%get3A_345, %get3A_346] {strides = array<i32>} : memref<160x128xf32, #tpu.memory_space<vmem>>, vector<16xf32>,
          %get3A_348 = arith.index_cast %add3A_344 : i32 to index
          %get3A_349 = arith.constant 48 : index
          %get3A_350 = tpu.vector_load %arg10[%get3A_348, %get3A_349] {strides = array<i32>} : memref<160x128xf32, #tpu.memory_space<vmem>>, vector<16xf32>,
          %add3A_351 = vector.broadcast %squeeze3A_340 : i32 to vector<16xi32>
          %add3A_352 = arith.addi %add3A_351, %iota3A : vector<16xi32>
          tpu.vector_store_idx %arg11[%add3A_352], %get3A_347 {add = true} : memref<8192xf32, #tpu.memory_space<vmem>>[vector<16xi32>], vector<16xf32>,
          %add3A_353 = arith.constant 16 : i32
          %add3A_354 = vector.broadcast %add3A_353 : i32 to vector<16xi32>
          %add3A_355 = arith.addi %iota3A, %add3A_354 : vector<16xi32>
          %add3A_356 = vector.broadcast %squeeze3A_340 : i32 to vector<16xi32>
          %add3A_357 = arith.addi %add3A_356, %add3A_355 : vector<16xi32>
          tpu.vector_store_idx %arg11[%add3A_357], %get3A_350 {add = true} : memref<8192xf32, #tpu.memory_space<vmem>>[vector<16xi32>], vector<16xf32>,
          %slice3A_358 = vector.extract_strided_slice %mul3A_93 {offsets = [14], sizes = [1], strides = [1]} : vector<16xi32> to vector<1xi32>
          %squeeze3A_359 = vector.extract %slice3A_358[0] : i32 from vector<1xi32>
          %mul3A_360 = arith.constant 4 : i32
          %mul3A_361 = arith.muli %scan3A_77, %mul3A_360 : i32
          %add3A_362 = arith.constant 3 : i32
          %add3A_363 = arith.addi %mul3A_361, %add3A_362 : i32
          %get3A_364 = arith.index_cast %add3A_363 : i32 to index
          %get3A_365 = arith.constant 64 : index
          %get3A_366 = tpu.vector_load %arg10[%get3A_364, %get3A_365] {strides = array<i32>} : memref<160x128xf32, #tpu.memory_space<vmem>>, vector<16xf32>,
          %get3A_367 = arith.index_cast %add3A_363 : i32 to index
          %get3A_368 = arith.constant 80 : index
          %get3A_369 = tpu.vector_load %arg10[%get3A_367, %get3A_368] {strides = array<i32>} : memref<160x128xf32, #tpu.memory_space<vmem>>, vector<16xf32>,
          %add3A_370 = vector.broadcast %squeeze3A_359 : i32 to vector<16xi32>
          %add3A_371 = arith.addi %add3A_370, %iota3A : vector<16xi32>
          tpu.vector_store_idx %arg11[%add3A_371], %get3A_366 {add = true} : memref<8192xf32, #tpu.memory_space<vmem>>[vector<16xi32>], vector<16xf32>,
          %add3A_372 = arith.constant 16 : i32
          %add3A_373 = vector.broadcast %add3A_372 : i32 to vector<16xi32>
          %add3A_374 = arith.addi %iota3A, %add3A_373 : vector<16xi32>
          %add3A_375 = vector.broadcast %squeeze3A_359 : i32 to vector<16xi32>
          %add3A_376 = arith.addi %add3A_375, %add3A_374 : vector<16xi32>
          tpu.vector_store_idx %arg11[%add3A_376], %get3A_369 {add = true} : memref<8192xf32, #tpu.memory_space<vmem>>[vector<16xi32>], vector<16xf32>,
          %slice3A_377 = vector.extract_strided_slice %mul3A_93 {offsets = [15], sizes = [1], strides = [1]} : vector<16xi32> to vector<1xi32>
          %squeeze3A_378 = vector.extract %slice3A_377[0] : i32 from vector<1xi32>
          %mul3A_379 = arith.constant 4 : i32
          %mul3A_380 = arith.muli %scan3A_77, %mul3A_379 : i32
          %add3A_381 = arith.constant 3 : i32
          %add3A_382 = arith.addi %mul3A_380, %add3A_381 : i32
          %get3A_383 = arith.index_cast %add3A_382 : i32 to index
          %get3A_384 = arith.constant 96 : index
          %get3A_385 = tpu.vector_load %arg10[%get3A_383, %get3A_384] {strides = array<i32>} : memref<160x128xf32, #tpu.memory_space<vmem>>, vector<16xf32>,
          %get3A_386 = arith.index_cast %add3A_382 : i32 to index
          %get3A_387 = arith.constant 112 : index
          %get3A_388 = tpu.vector_load %arg10[%get3A_386, %get3A_387] {strides = array<i32>} : memref<160x128xf32, #tpu.memory_space<vmem>>, vector<16xf32>,
          %add3A_389 = vector.broadcast %squeeze3A_378 : i32 to vector<16xi32>
          %add3A_390 = arith.addi %add3A_389, %iota3A : vector<16xi32>
          tpu.vector_store_idx %arg11[%add3A_390], %get3A_385 {add = true} : memref<8192xf32, #tpu.memory_space<vmem>>[vector<16xi32>], vector<16xf32>,
          %add3A_391 = arith.constant 16 : i32
          %add3A_392 = vector.broadcast %add3A_391 : i32 to vector<16xi32>
          %add3A_393 = arith.addi %iota3A, %add3A_392 : vector<16xi32>
          %add3A_394 = vector.broadcast %squeeze3A_378 : i32 to vector<16xi32>
          %add3A_395 = arith.addi %add3A_394, %add3A_393 : vector<16xi32>
          tpu.vector_store_idx %arg11[%add3A_395], %get3A_388 {add = true} : memref<8192xf32, #tpu.memory_space<vmem>>[vector<16xi32>], vector<16xf32>,
        }
        %scan3A_76 = arith.constant 40 : i32
      } else {
      }
    }
    %scan3A_20 = arith.constant 40 : i32
    "tpu.region"() ({
      %run_scoped3A = tpu.sem_alloc : memref<!tpu.dma_semaphore, #tpu.memory_space<semaphore_mem>>
      %dma_start3A = arith.constant 0 : i32
      %dma_start3A_21 = tpu.memref_slice %arg5[%add3A, %dma_start3A] : memref<32x8192xf32, #tpu.memory_space<hbm>> -> memref<1x8192xf32, #tpu.memory_space<hbm>>
      %dma_start3A_22 = tpu.memref_squeeze %dma_start3A_21 : memref<1x8192xf32, #tpu.memory_space<hbm>> -> memref<8192xf32, #tpu.memory_space<hbm>>
      %dma_start3A_23 = arith.constant 0 : i32
      %dma_start3A_24 = tpu.memref_slice %arg5[%add3A, %dma_start3A_23] : memref<32x8192xf32, #tpu.memory_space<hbm>> -> memref<1x8192xf32, #tpu.memory_space<hbm>>
      %dma_start3A_25 = tpu.memref_squeeze %dma_start3A_24 : memref<1x8192xf32, #tpu.memory_space<hbm>> -> memref<8192xf32, #tpu.memory_space<hbm>>
      tpu.enqueue_dma source(%arg11 : memref<8192xf32, #tpu.memory_space<vmem>>) target(%dma_start3A_25 : memref<8192xf32, #tpu.memory_space<hbm>>) target_semaphore(%run_scoped3A : memref<!tpu.dma_semaphore, #tpu.memory_space<semaphore_mem>>)
      %dma_wait3A = arith.constant 0 : i32
      %dma_wait3A_26 = tpu.memref_slice %arg5[%add3A, %dma_wait3A] : memref<32x8192xf32, #tpu.memory_space<hbm>> -> memref<1x8192xf32, #tpu.memory_space<hbm>>
      %dma_wait3A_27 = tpu.memref_squeeze %dma_wait3A_26 : memref<1x8192xf32, #tpu.memory_space<hbm>> -> memref<8192xf32, #tpu.memory_space<hbm>>
      %dma_wait3A_28 = arith.constant 0 : i32
      %dma_wait3A_29 = tpu.memref_slice %arg5[%add3A, %dma_wait3A_28] : memref<32x8192xf32, #tpu.memory_space<hbm>> -> memref<1x8192xf32, #tpu.memory_space<hbm>>
      %dma_wait3A_30 = tpu.memref_squeeze %dma_wait3A_29 : memref<1x8192xf32, #tpu.memory_space<hbm>> -> memref<8192xf32, #tpu.memory_space<hbm>>
      tpu.wait_dma2 semaphore(%run_scoped3A : memref<!tpu.dma_semaphore, #tpu.memory_space<semaphore_mem>>) src(%arg11 : memref<8192xf32, #tpu.memory_space<vmem>>) dst(%dma_wait3A_30 : memref<8192xf32, #tpu.memory_space<hbm>>)
      tpu.yield
    }) : () -> ()
    return
  }
}

module attributes {stable_mosaic.version = 14 : i64} {
  func.func @_node_body(%arg0: i32, %arg1: memref<1x1x2000xi32, #tpu.memory_space<vmem>>, %arg2: memref<2000x128xf32, #tpu.memory_space<vmem>>, %arg3: memref<256x128xf32, #tpu.memory_space<vmem>>, %arg4: memref<256x128xf32, #tpu.memory_space<vmem>>) attributes {dimension_semantics = [#tpu.dimension_semantics<arbitrary>], iteration_bounds = array<i64: 50>, scalar_prefetch = 0 : i64, scratch_operands = 1 : i64, tpu.core_type = #tpu.core_type<tc>, window_params = [{transform_indices = @transform_0, window_bounds = array<i64: 1, 1, 2000>}, {transform_indices = @transform_1, window_bounds = array<i64: 2000, 128>}, {pipeline_mode = #tpu.pipeline_mode<synchronous>, transform_indices = @transform_2, window_bounds = array<i64: 256, 128>}]} {
    %eq3A = arith.constant 0 : i32
    %eq3A_0 = arith.cmpi eq, %arg0, %eq3A : i32
    %convert_element_type3A = arith.extui %eq3A_0 : i1 to i32
    %cond3A = arith.constant 0 : i32
    %cond3A_1 = arith.cmpi ne, %convert_element_type3A, %cond3A : i32
    scf.if %cond3A_1 {
      %broadcast_in_dim3A_24 = arith.constant 0.000000e+00 : f32
      %broadcast_in_dim3A_25 = vector.broadcast %broadcast_in_dim3A_24 : f32 to vector<256x128xf32>
      %swap3A_26 = arith.constant 0 : index
      %swap3A_27 = arith.constant 0 : index
      %swap3A_28 = vector.load %arg4[%swap3A_26, %swap3A_27] : memref<256x128xf32, #tpu.memory_space<vmem>>, vector<256x128xf32>
      tpu.vector_store %arg4[%swap3A_26, %swap3A_27], %broadcast_in_dim3A_25 {strides = array<i32>} : memref<256x128xf32, #tpu.memory_space<vmem>>, vector<256x128xf32>,
    } else {
    }
    %get3A = arith.constant 0 : index
    %get3A_2 = arith.constant 0 : index
    %get3A_3 = arith.constant 0 : index
    %get3A_4 = vector.load %arg1[%get3A, %get3A_2, %get3A_3] : memref<1x1x2000xi32, #tpu.memory_space<vmem>>, vector<1x1x2000xi32>
    %get3A_5 = vector.shape_cast %get3A_4 : vector<1x1x2000xi32> to vector<2000xi32>
    %iota3A = tpu.iota {dimensions = array<i32: 0>} : vector<256x2000xi32>
    %broadcast_in_dim3A = vector.shape_cast %get3A_5 : vector<2000xi32> to vector<1x2000xi32>
    %eq3A_6 = vector.broadcast %broadcast_in_dim3A : vector<1x2000xi32> to vector<256x2000xi32>
    %eq3A_7 = arith.cmpi eq, %iota3A, %eq3A_6 : vector<256x2000xi32>
    %convert_element_type3A_8 = arith.extui %eq3A_7 : vector<256x2000xi1> to vector<256x2000xi32>
    %convert_element_type3A_9 = arith.sitofp %convert_element_type3A_8 : vector<256x2000xi32> to vector<256x2000xf32>
    %get3A_10 = arith.constant 0 : index
    %get3A_11 = arith.constant 0 : index
    %get3A_12 = vector.load %arg4[%get3A_10, %get3A_11] : memref<256x128xf32, #tpu.memory_space<vmem>>, vector<256x128xf32>
    %get3A_13 = arith.constant 0 : index
    %get3A_14 = arith.constant 0 : index
    %get3A_15 = vector.load %arg2[%get3A_13, %get3A_14] : memref<2000x128xf32, #tpu.memory_space<vmem>>, vector<2000x128xf32>
    %dot_general3A = arith.constant dense<0.000000e+00> : vector<256x128xf32>
    %dot_general3A_16 = tpu.matmul %convert_element_type3A_9, %get3A_15, %dot_general3A {dimension_numbers = #tpu.dot_dimension_numbers<[1], [0], [0], [1], [0, 0, 1, 1], [], []>, transpose_lhs_hint = false} : vector<256x2000xf32>, vector<2000x128xf32>, vector<256x128xf32> -> vector<256x128xf32>
    %add3A = arith.addf %get3A_12, %dot_general3A_16 : vector<256x128xf32>
    %swap3A = arith.constant 0 : index
    %swap3A_17 = arith.constant 0 : index
    %swap3A_18 = vector.load %arg4[%swap3A, %swap3A_17] : memref<256x128xf32, #tpu.memory_space<vmem>>, vector<256x128xf32>
    tpu.vector_store %arg4[%swap3A, %swap3A_17], %add3A {strides = array<i32>} : memref<256x128xf32, #tpu.memory_space<vmem>>, vector<256x128xf32>,
    %eq3A_19 = arith.constant 49 : i32
    %eq3A_20 = arith.cmpi eq, %arg0, %eq3A_19 : i32
    %convert_element_type3A_21 = arith.extui %eq3A_20 : i1 to i32
    %cond3A_22 = arith.constant 0 : i32
    %cond3A_23 = arith.cmpi ne, %convert_element_type3A_21, %cond3A_22 : i32
    scf.if %cond3A_23 {
      %get3A_24 = arith.constant 0 : index
      %get3A_25 = arith.constant 0 : index
      %get3A_26 = vector.load %arg4[%get3A_24, %get3A_25] : memref<256x128xf32, #tpu.memory_space<vmem>>, vector<256x128xf32>
      %swap3A_27 = arith.constant 0 : index
      %swap3A_28 = arith.constant 0 : index
      %swap3A_29 = vector.load %arg3[%swap3A_27, %swap3A_28] : memref<256x128xf32, #tpu.memory_space<vmem>>, vector<256x128xf32>
      tpu.vector_store %arg3[%swap3A_27, %swap3A_28], %get3A_26 {strides = array<i32>} : memref<256x128xf32, #tpu.memory_space<vmem>>, vector<256x128xf32>,
    } else {
    }
    return
  }
  func.func @transform_0(%arg0: i32) -> (i32, i32, i32) {
    %c0_i32 = arith.constant 0 : i32
    %c0_i32_0 = arith.constant 0 : i32
    %c0_i32_1 = arith.constant 0 : i32
    return %arg0, %c0_i32, %c0_i32_0 : i32, i32, i32
  }
  func.func @transform_1(%arg0: i32) -> (i32, i32) {
    %c0_i32 = arith.constant 0 : i32
    %c0_i32_0 = arith.constant 0 : i32
    return %arg0, %c0_i32 : i32, i32
  }
  func.func @transform_2(%arg0: i32) -> (i32, i32) {
    %c0_i32 = arith.constant 0 : i32
    %c0_i32_0 = arith.constant 0 : i32
    %c0_i32_1 = arith.constant 0 : i32
    return %c0_i32, %c0_i32_0 : i32, i32
  }
}

module attributes {stable_mosaic.version = 14 : i64} {
  func.func @_comb_body(%arg0: memref<256x128xf32, #tpu.memory_space<vmem>>, %arg1: memref<32x256x32xf32, #tpu.memory_space<vmem>>, %arg2: memref<160x64xf32, #tpu.memory_space<vmem>>, %arg3: memref<1x64xf32, #tpu.memory_space<vmem>>, %arg4: memref<256x64xf32, #tpu.memory_space<vmem>>) attributes {dimension_semantics = [], scalar_prefetch = 0 : i64, scratch_operands = 0 : i64, tpu.core_type = #tpu.core_type<tc>} {
    %get3A = arith.constant 0 : index
    %get3A_0 = arith.constant 0 : index
    %get3A_1 = arith.constant 0 : index
    %get3A_2 = vector.load %arg1[%get3A, %get3A_0, %get3A_1] : memref<32x256x32xf32, #tpu.memory_space<vmem>>, vector<32x256x32xf32>
    %reduce_sum3A = arith.constant dense<0.000000e+00> : vector<256x32xf32>
    %reduce_sum3A_3 = vector.multi_reduction <add>, %get3A_2, %reduce_sum3A [0] : vector<32x256x32xf32> to vector<256x32xf32>
    %get3A_4 = arith.constant 0 : index
    %get3A_5 = arith.constant 0 : index
    %get3A_6 = vector.load %arg0[%get3A_4, %get3A_5] : memref<256x128xf32, #tpu.memory_space<vmem>>, vector<256x128xf32>
    %get3A_7 = arith.constant 0 : index
    %get3A_8 = arith.constant 0 : index
    %get3A_9 = vector.load %arg2[%get3A_7, %get3A_8] : memref<160x64xf32, #tpu.memory_space<vmem>>, vector<128x64xf32>
    %dot_general3A = arith.constant dense<0.000000e+00> : vector<256x64xf32>
    %dot_general3A_10 = tpu.matmul %get3A_6, %get3A_9, %dot_general3A {dimension_numbers = #tpu.dot_dimension_numbers<[1], [0], [0], [1], [0, 0, 1, 1], [], []>, transpose_lhs_hint = false} : vector<256x128xf32>, vector<128x64xf32>, vector<256x64xf32> -> vector<256x64xf32>
    %get3A_11 = arith.constant 128 : index
    %get3A_12 = arith.constant 0 : index
    %get3A_13 = vector.load %arg2[%get3A_11, %get3A_12] : memref<160x64xf32, #tpu.memory_space<vmem>>, vector<32x64xf32>
    %dot_general3A_14 = arith.constant dense<0.000000e+00> : vector<256x64xf32>
    %dot_general3A_15 = tpu.matmul %reduce_sum3A_3, %get3A_13, %dot_general3A_14 {dimension_numbers = #tpu.dot_dimension_numbers<[1], [0], [0], [1], [0, 0, 1, 1], [], []>, transpose_lhs_hint = false} : vector<256x32xf32>, vector<32x64xf32>, vector<256x64xf32> -> vector<256x64xf32>
    %add3A = arith.addf %dot_general3A_10, %dot_general3A_15 : vector<256x64xf32>
    %get3A_16 = arith.constant 0 : index
    %get3A_17 = arith.constant 0 : index
    %get3A_18 = vector.load %arg3[%get3A_16, %get3A_17] : memref<1x64xf32, #tpu.memory_space<vmem>>, vector<1x64xf32>
    %add3A_19 = vector.broadcast %get3A_18 : vector<1x64xf32> to vector<256x64xf32>
    %add3A_20 = arith.addf %add3A, %add3A_19 : vector<256x64xf32>
    %swap3A = arith.constant 0 : index
    %swap3A_21 = arith.constant 0 : index
    %swap3A_22 = vector.load %arg4[%swap3A, %swap3A_21] : memref<256x64xf32, #tpu.memory_space<vmem>>, vector<256x64xf32>
    tpu.vector_store %arg4[%swap3A, %swap3A_21], %add3A_20 {strides = array<i32>} : memref<256x64xf32, #tpu.memory_space<vmem>>, vector<256x64xf32>,
    return
  }
}

</mosaic_0001>

<sc_bundles>
// kernel: kernel.5.cloned.1.call-start
scs
__scs_entry_jumppad:
0x0: {  	(pc) =	sbr.rel $0x88, $3  }
0x1: {  	(tag) =	ssettag $0x0;
	lr =	simm.s32 $0x1  }
0x2: {  	[smem:$0x3F9B] =	sst lr;
	_ =	strace $0xD0000000  }
0x3: {  	_ = 	snop  }
0x4: {  	_ = 	snop  }
0x5: {  	_ = 	snop  }
0x6: {  	_ = 	snop  }
0x7: {  	_ = 	snop  }
__scs_overlays_trampoline_lowered:
0x8: {  	[smem:$0x3FAA] =	sst s0  }
0x9: {  	[smem:$0x3FAB] =	sst s1  }
0xa: {  	[smem:$0x3FAC] =	sst s2  }
0xb: {  	[smem:$0x3FAD] =	sst s3  }
0xc: {  	[smem:$0x3FAE] =	sst s4  }
0xd: {  	[smem:$0x3FAF] =	sst s5  }
0xe: {  	[smem:$0x3FB0] =	sst s6  }
0xf: {  	[smem:$0x3FB1] =	sst s7  }
0x10: {  	[smem:$0x3FB2] =	sst s8  }
0x11: {  	[smem:$0x3FB3] =	sst s9;
	s0 =	simm.s32 @!p0 $0x0  }
0x12: {  	s1 =	sld [smem:$0x3F99];
	s0 =	simm.s32 @p0 $0x1  }
0x13: {  	[smem:$0x3FB4] =	sst s0;
	s0 =	simm.s32 @!p1 $0x0  }
0x14: {  	s2 =	sld [smem:$0x3F98];
	s0 =	simm.s32 @p1 $0x1  }
0x15: {  	[smem:$0x3FB5] =	sst s0;
	s0 =	simm.s32 @!p2 $0x0  }
0x16: {  	s3 =	sld [smem:$0x3FDB];
	s0 =	simm.s32 @p2 $0x1  }
0x17: {  	s4 =	simm.s32 $0x1BF5;
	[smem:$0x3FB7] =	sst s0  }
0x18: {  	s0 =	sld [smem:$0x3F9A];
	_ =	swait.ge [sflag:s4], $0x0  }
0x19: {  	s7 =	sld [smem:$0x3F9B]  }
0x1a: {  	s8 =	sadd.s32 $0xFFFFE003, lr  }
0x1b: {  	s9 =	sadd.s32 $0xFFFFFEF7, lr;
	s5 =	simm.s32 $0xFFFFFFFF;
	p2 =	slt.u32 s8, $0xFFFFF086  }
0x1c: {  	p1 =	slt.u32 s9, $0xF7A;
	s5 =	simm.s32 @!p2 $0x0  }
0x1d: {  	s5 =	simm.s32 @p1 $0x1;
	p0 =	seq.s32 s7, s2  }
0x1e: {  	s7 =	smul.u32 @!p0 $0xF7A, s2;
	p2 =	seq.s32 @!p0 s5, $0x0  }
0x1f: {  	s9 =	smul.u32 $0xF7A, s1;
	s8 =	simm.s32 @!p0 $0x1BF5;
	p2 =	por !p2, p0  }
0x20: {  	[sflag:s8] =	ssyncset.s32 @!p0 $0xFFFFF086;
	s6 =	sadd.s32 @!p0 s3, s7;
	s7 =	simm.s32 @!p0 $0x108  }
0x21: {  	s3 =	sadd.s32 s3, s9;
	s6 =	sadd.s32 @!p0 $0x88, s6;
	s7 =	simm.s32 @p2 $0x1082  }
0x22: {  	[simem:s7], [sflag:s8] =	dma.local @!p0 [hbm:s6], $0xF7A  }
0x23: {  	s9 =	sor.u32 $0xD0000000, s2;
	s6 =	simm.s32 $0x108;
	_ =	swait.ge @!p0 [sflag:s8], $0x0  }
0x24: {  	s3 =	sadd.s32 $0x88, s3;
	s6 =	simm.s32 @!p1 $0x1082;
	[sflag:s4] =	ssyncset.s32 $0xFFFFF086  }
0x25: {  	[simem:s6], [sflag:s4] =	dma.local [hbm:s3], $0xF7A  }
0x26: {  	[smem:$0x3F9B] =	sst s1;
	(tag) =	ssettag s2;
	_ =	strace s9  }
0x27: {  	s1 =	sld [smem:$0x3FAB]  }
0x28: {  	s2 =	sld [smem:$0x3FAC]  }
0x29: {  	s4 =	sld [smem:$0x3FAE]  }
0x2a: {  	p0 =	seq.s32 s5, $0x0;
	s5 =	sld [smem:$0x3FAF]  }
0x2b: {  	s6 =	sld [smem:$0x3FB0]  }
0x2c: {  	s7 =	sld [smem:$0x3FB1]  }
0x2d: {  	s3 =	simm.s32 $0x108;
	s8 =	sld [smem:$0x3FB2]  }
0x2e: {  	s3 =	simm.s32 @!p0 $0x1082;
	s9 =	sld [smem:$0x3FB3]  }
0x2f: {  	lr =	sadd.s32 s0, s3;
	s0 =	sld [smem:$0x3FAA]  }
0x30: {  	s3 =	sld [smem:$0x3FAD]  }
0x31: {  	[smem:$0x3FB6] =	sst s10  }
0x32: {  	s10 =	sld [smem:$0x3FB4];
	_ =	sdelay $0x3  }
0x33: {  	p0 =	seq.s32 s10, $0x1;
	s10 =	sld [smem:$0x3FB6];
	_ =	sdelay $0x3  }
0x34: {  	[smem:$0x3FB6] =	sst s10  }
0x35: {  	s10 =	sld [smem:$0x3FB5];
	_ =	sdelay $0x3  }
0x36: {  	p1 =	seq.s32 s10, $0x1;
	s10 =	sld [smem:$0x3FB6];
	_ =	sdelay $0x3  }
0x37: {  	[smem:$0x3FB6] =	sst s10  }
0x38: {  	s10 =	sld [smem:$0x3FB7]  }
0x39: {  	_ = 	snop;
	(pc) =	sbr.ind lr, $3  }
0x3a: {  	_ = 	snop  }
0x3b: {  	_ = 	snop  }
0x3c: {  	p2 =	seq.s32 s10, $0x1;
	s10 =	sld [smem:$0x3FB6]  }
0x3d: {  	_ =	shalt  }
0x3e: {  	_ =	shalt  }
0x3f: {  	_ =	shalt  }
0x40: {  	_ =	shalt  }
0x41: {  	_ =	shalt  }
0x42: {  	_ =	shalt  }
0x43: {  	_ =	shalt  }
0x44: {  	_ =	shalt  }
0x45: {  	_ =	shalt  }
0x46: {  	_ =	shalt  }
0x47: {  	_ =	shalt  }
0x48: {  	_ =	shalt  }
0x49: {  	_ =	shalt  }
0x4a: {  	_ =	shalt  }
0x4b: {  	_ =	shalt  }
0x4c: {  	_ =	shalt  }
0x4d: {  	_ =	shalt  }
0x4e: {  	_ =	shalt  }
0x4f: {  	_ =	shalt  }
0x50: {  	_ =	shalt  }
0x51: {  	_ =	shalt  }
0x52: {  	_ =	shalt  }
0x53: {  	_ =	shalt  }
0x54: {  	_ =	shalt  }
0x55: {  	_ =	shalt  }
0x56: {  	_ =	shalt  }
0x57: {  	_ =	shalt  }
0x58: {  	_ =	shalt  }
0x59: {  	_ =	shalt  }
0x5a: {  	_ =	shalt  }
0x5b: {  	_ =	shalt  }
0x5c: {  	_ =	shalt  }
0x5d: {  	_ =	shalt  }
0x5e: {  	_ =	shalt  }
0x5f: {  	_ =	shalt  }
0x60: {  	_ =	shalt  }
0x61: {  	_ =	shalt  }
0x62: {  	_ =	shalt  }
0x63: {  	_ =	shalt  }
0x64: {  	_ =	shalt  }
0x65: {  	_ =	shalt  }
0x66: {  	_ =	shalt  }
0x67: {  	_ =	shalt  }
0x68: {  	_ =	shalt  }
0x69: {  	_ =	shalt  }
0x6a: {  	_ =	shalt  }
0x6b: {  	_ =	shalt  }
0x6c: {  	_ =	shalt  }
0x6d: {  	_ =	shalt  }
0x6e: {  	_ =	shalt  }
0x6f: {  	_ =	shalt  }
0x70: {  	_ =	shalt  }
0x71: {  	_ =	shalt  }
0x72: {  	_ =	shalt  }
0x73: {  	_ =	shalt  }
0x74: {  	_ =	shalt  }
0x75: {  	_ =	shalt  }
0x76: {  	_ =	shalt  }
0x77: {  	_ =	shalt  }
0x78: {  	_ =	shalt  }
0x79: {  	_ =	shalt  }
0x7a: {  	_ =	shalt  }
0x7b: {  	_ =	shalt  }
0x7c: {  	_ =	shalt  }
0x7d: {  	_ =	shalt  }
0x7e: {  	_ =	shalt  }
0x7f: {  	_ =	shalt  }
0x80: {  	_ =	shalt  }
0x81: {  	_ =	shalt  }
0x82: {  	_ =	shalt  }
0x83: {  	_ =	shalt  }
0x84: {  	_ =	shalt  }
0x85: {  	_ =	shalt  }
0x86: {  	_ =	shalt  }
0x87: {  	_ =	shalt  }
.Lfunc_end0:
.L_simem_size_0:
called_computation_lowered:
.L_overlay_start_0:
0x88: {  	s2 =	sld [smem:$0x3FD9]  }
0x89: {  	s3 =	sld [smem:$0x3FFE];
	_ =	sdelay $0x1  }
0x8a: {  	s1 =	srdreg.scid  }
0x8b: {  	s0 =	sand.u32 $0x1, s1  }
0x8c: {  	s16 =	sshll.u32 s0, $0xA;
	s2 =	sadd.s32 s3, s2  }
0x8d: {  	s2 =	sadd.s32 s2, s16  }
0x8e: {  	[smem:$0x3FC2] =	sst s2  }
0x8f: {  	_ = 	snop  }
0x90: {  	(tm) =	ssettm $0x1  }
0x91: {  	s17 =	sld [smem:$0x3FFB];
	_ =	sdelay $0x3  }
0x92: {  	_ =	strace s17  }
0x93: {  	s2 =	sld [smem:$0x3FFC];
	_ =	sdelay $0x3  }
0x94: {  	_ =	strace s2  }
0x95: {  	s2 =	sld [smem:$0x3FFD];
	_ =	sdelay $0x3  }
0x96: {  	_ =	strace s2  }
0x97: {  	_ =	strace $0x8FFFFFFF  }
0x98: {  	s18 =	sld [smem:$0x3FDB];
	_ =	sdelay $0x1  }
0x99: {  	s19 =	simm.s32 $_scs_section_size  }
0x9a: {  	s4 =	simm.s32 $_size__tile_overlayer_lowered;
	s5 =	simm.s32 $_tile_overlayer_lowered  }
0x9b: {  	s22 =	simm.s32 $0x1BFF;
	s21 =	sshll.u32 s5, $0x1;
	s2 =	sadd.s32 s19, s18  }
0x9c: {  	s6 =	simm.s32 $0x0;
	s20 =	sshll.u32 s4, $0x1;
	s4 =	sadd.s32 s21, s2  }
0x9d: {  	[timem:s6], [sflag:s22] =	dma.local [hbm:s4], s20  }
0x9e: {  	_ =	swait.ge [sflag:s22], s20  }
0x9f: {  	s3 =	ssub.s32 $0x0, s20;
	[sflag:s22] =	ssyncset.done $0x0  }
0xa0: {  	[sflag:s22] =	ssyncadd.s32 s3;
	_ =	sdelay $0x1  }
0xa1: {  	s23 =	simm.s32 $0x1B8B  }
0xa2: {  	_ =	swait.ge [sflag:s23], $0x1  }
0xa3: {  	[sflag:s23] =	ssyncset.done $0x0  }
0xa4: {  	s25 =	simm.s32 $0x1B8E;
	s24 =	sld [smem:$0x3FFE];
	[sflag:s23] =	ssyncadd.s32 $0xFFFFFFFF  }
0xa5: {  	s26 =	simm.s32 $execute0_lowered;
	[smem:$0x3FD2] =	sst s25  }
0xa6: {  	s4 =	sshll.u32 s26, $0x1;
	_ =	strace $0x80000046;
	[dreg:$0x1] =	wrdreg $0xFFFFFFFF  }
0xa7: {  	s28 =	simm.s32 $_size_execute0_lowered;
	s2 =	sadd.s32 s2, s4;
	[dreg:$0x0] =	wrdreg $0x0  }
0xa8: {  	s4 =	sshll.u32 s28, $0x1;
	[dreg:$0x2] =	wrdreg s2  }
0xa9: {  	[dreg:$0x3] =	wrdreg s4  }
0xaa: {  	[dreg:$0x4] =	wrdreg $0xC0  }
0xab: {  	_ =	task [dreg:s6], $0x5FFFF  }
0xac: {  	[dreg:$0x1] =	wrdreg $0xFFFFFFFF  }
0xad: {  	[dreg:$0x0] =	wrdreg $0x60  }
0xae: {  	[dreg:$0x2] =	wrdreg s24  }
0xaf: {  	[dreg:$0x3] =	wrdreg $0x9  }
0xb0: {  	_ =	task.clear_ibuf [dreg:s6], $0x4FFFF;
	_ =	strace $0x90000046  }
0xb1: {  	s29 =	simm.s32 $0x9;
	_ =	strace $0x80000048  }
0xb2: {  	_ =	swait.ge [sflag:s29], $0x1  }
0xb3: {  	[sflag:s29] =	ssyncadd.s32 $0xFFFFFFFF  }
0xb4: {  	_ =	strace $0x90000048  }
0xb5: {  	_ =	sfence  }
0xb6: {  	s30 =	sld [smem:$0x0];
	_ =	sdelay $0x2  }
0xb7: {  	s31 =	sshll.u32 s1, $0xD;
	s1 =	sshrl.u32 s1, $0x2  }
0xb8: {  	s3 =	sand.u32 $0x4000, s31;
	s1 =	sadd.s32 s1, s30  }
0xb9: {  	s0 =	sor.u32 s3, s0;
	s1 =	sshll.u32 s1, $0x11  }
0xba: {  	s0 =	sor.u32 s1, s0  }
0xbb: {  	s0 =	sadd.s32 $0x8F2B, s0  }
0xbc: {  	[sflag:s0] =	ssyncadd.remote.s32 $0x1  }
0xbd: {  	_ =	sfence.sel $0xFFFF  }
0xbe: {  	[dreg:$0x0] =	wrdreg $0xFFFFFFFF;
	(pc) =	sbr.abs _section_cstart, $3  }
0xbf: {  	[dreg:$0x1] =	wrdreg $0xFFFFFFFF  }
0xc0: {  	_ =	task.clear_ibuf [dreg:s6], $0x2FFFF;
	_ =	strace $0x9FFFFFFF  }
0xc1: {  	(tm) =	ssettm $0x7FFFFFFF  }
tec
execute0_lowered:
.L_overlay_start_1:
0x0: {  	(tag) =	ssettag $0x1  }
0x1: {  	s7 =	rddreg [dreg:$0x0]  }
0x2: {  	s0 =	rddreg [dreg:$0x1];
	s1 =	simm.s32 $0x0;
	s2 =	stileid.u32  }
0x3: {  	s5 =	srdreg.scid;
	s15 =	simm.s32 $0x6700;
	s16 =	simm.s32 $0x1  }
0x4: {  	s17 =	simm.s32 $0x10700;
	s18 =	simm.s32 $0x2;
	s19 =	simm.s32 $0x80  }
0x5: {  	s20 =	simm.s32 $0x400;
	s21 =	simm.s32 $0x0;
	[smem:$0x7FF] =	sst s1  }
0x6: {  	s3 =	sadd.s32 $0x2000, s7;
	s4 =	sadd.s32 $0x186B200, s7;
	s6 =	sshll.u32 s2, $0xB  }
0x7: {  	s8 =	sand.u32 $0x1, s5;
	s9 =	sshll.u32 s2, $0x1;
	s5 =	sadd.s32 $0x1200, s7  }
0x8: {  	_ =	strace $0x80000047;
	s10 =	sand.u32 $0x6000, s6;
	s6 =	sor.u32 s8, s9  }
0x9: {  	s29 =	ssub.s32 $0x2, s8;
	s9 =	ssub.s32 $0x9C4, s9;
	s30 =	smul.u32 $0x50, s6  }
.Ltmp0:
0xa: {  	s10 =	sadd.s32 s10, s7;
	s11 =	sshrl.u32 s29, $0x1;
	(pc) =	sbr.rel .LBB2_1-.Ltmp0, $4  }
0xb: {  	s12 =	smul.u32 $0xA00, s6;
	s13 =	sshll.u32 s6, $0x4;
	s14 =	ssub.s32 s29, s11  }
0xc: {  	s31 =	sand.u32 $0x70, s13;
	s13 =	simm.s32 $0x3;
	s7 =	sadd.s32 s3, s30  }
0xd: {  	v0 =	vlaneseq.u32;
	s8 =	sadd.s32 s4, s12;
	s11 =	sadd.s32 s31, s10;
	s10 =	sor.u32 $0x40, s6  }
0xe: {  	v1 =	vimm.f32 $0.0e+00;
	v2 =	vor.u32 $0x10, v0;
	s12 =	smax.u32 s14, $0x1;
	s14 =	simm.s32 $0x6200;
	s11 =	sadd.s32 $0x32E00, s11  }
.LBB2_12:
0xf: {  	s21 =	sadd.s32 $0x1, s21  }
0x10: {  	p0 =	sne.s32 s21, s12  }
.Ltmp1:
0x11: {  	_ = 	snop;
	(pc) =	sbr.rel @!p0 .LBB2_13-.Ltmp1, $4  }
0x12: {  	[hbm4b:s11+s19] =	stream.strided.scatter [tilespmem:s17], [sflag:$0x3], $0x2000, s20, s19, $0x38;
	[tilespmem:$0x12700] =	vst v63  }
0x13: {  	_ =	swait.ge [sflag:s13], $0x2000  }
0x14: {  	[sflag:s13] =	ssyncset.done $0x0  }
0x15: {  	[sflag:s13] =	ssyncadd.s32 $0xFFFFE000  }
.LBB2_1:
0x16: {  	[tilespmem:s1], [sflag:$0x3] =	stream.linear.gather [hbm4b:s5+s1], $0x6200, $0x38;
	[tilespmem:$0x12700] =	vst v63  }
0x17: {  	_ =	swait.ge [sflag:s13], $0x6200  }
0x18: {  	[sflag:s13] =	ssyncset.done $0x0  }
0x19: {  	s22 =	simm.s32 $0x40;
	s23 =	simm.s32 $0x0;
	[sflag:s13] =	ssyncadd.s32 $0xFFFF9E00  }
.LBB2_2:
0x1a: {  	p0 =	sne.s32 s22, $0x7FC0;
	[tilespmem:s23+$0x10700] =	vst v1;
	s23 =	smov.u32 s22;
	s22 =	sadd.s32 $0x40, s22  }
.Ltmp2:
0x1b: {  	(pc) =	sbr.rel @p0 .LBB2_2-.Ltmp2, $2  }
0x1c: {  	_ =	sdelay $0x2  }
0x1d: {  	s23 =	sshra.s32 s23, $0x2  }
.Ltmp3:
0x1e: {  	(pc) =	sbr.rel .LBB2_4-.Ltmp3, $4  }
0x1f: {  	[tilespmem:s23+$0x10700] =	vst v1;
	s22 =	simm.s32 $0x0  }
0x20: {  	[tilespmem:s14], [sflag:$0x1] =	stream.linear.gather [hbm4b:s7+s22], $0x280, $0x38;
	[tilespmem:$0x12700] =	vst v63  }
0x21: {  	_ = 	snop  }
0x22: {  	[tilespmem:s15], [sflag:$0x1] =	stream.linear.gather [hbm4b:s8+s22], $0x5000, $0x38;
	[tilespmem:$0x12700] =	vst v63  }
.LBB2_11:
0x23: {  	s22 =	sadd.s32 $0x1, s22  }
0x24: {  	p0 =	sne.s32 s22, $0x28  }
.Ltmp4:
0x25: {  	_ = 	snop;
	(pc) =	sbr.rel @!p0 .LBB2_12-.Ltmp4, $1  }
0x26: {  	_ =	sdelay $0x3  }
.LBB2_4:
0x27: {  	s23 =	sshll.u32 s22, $0x6  }
0x28: {  	p0 =	slt.u32 s23, s9  }
.Ltmp5:
0x29: {  	_ = 	snop;
	(pc) =	sbr.rel @!p0 .LBB2_5-.Ltmp5, $2  }
0x2a: {  	_ =	sdelay $0x2  }
0x2b: {  	s24 =	sshllo.u32 s22, $0x1  }
0x2c: {  	_ =	swait.ge [sflag:s16], $0x280;
	s24 =	sshll.u32 s24, $0x5  }
0x2d: {  	[sflag:s16] =	ssyncset.done $0x0;
	s25 =	sor.u32 s6, s24  }
0x2e: {  	[sflag:s16] =	ssyncadd.s32 $0xFFFFFD80;
	p0 =	sgt.u32 s25, $0x9C3  }
0x2f: {  	_ =	swait.ge [sflag:s16], $0x5000;
	s26 =	smul.u32 @!p0 $0x50, s25  }
0x30: {  	s28 =	simm.s32 @!p0 $0x0;
	s29 =	simm.s32 @!p0 $0x6480;
	[sflag:s16] =	ssyncset.done $0x0  }
0x31: {  	s25 =	smul.u32 @!p0 $0xA00, s25;
	[sflag:s16] =	ssyncadd.s32 $0xFFFFB000;
	s26 =	sadd.s32 @!p0 s3, s26  }
0x32: {  	[tilespmem:s29], [sflag:$0x2] =	stream.linear.gather @!p0 [hbm4b:s26+s28], $0x280, $0x38;
	[tilespmem:$0x12700] =	vst v63  }
0x33: {  	s25 =	sadd.s32 @!p0 s4, s25;
	s26 =	simm.s32 @!p0 $0xB700  }
0x34: {  	[tilespmem:s26], [sflag:$0x2] =	stream.linear.gather @!p0 [hbm4b:s25+s28], $0x5000, $0x38;
	[tilespmem:$0x12700] =	vst v63  }
0x35: {  	s25 =	simm.s32 $0x0;
	s26 =	simm.s32 $0x6800  }
.LBB2_7:
0x36: {  	s28 =	sshra.s32 s25, $0x2  }
0x37: {  	v3 =	vld [tilespmem:s28+$0x6200];
	_ =	sdelay $0x4  }
0x38: {  	v4 =	vshra.s32 v3, $0x2;
	_ =	sdelay $0x4  }
0x39: {  	v4 =	vld.idx.msk [tilespmem:v4+s1+$0x0], $0xffff;
	_ =	sdelay $0x2  }
0x3a: {  	v3 =	vshll.u32 v3, $0x3  }
0x3b: {  	v3 =	vand.u32 $0x18, v3  }
0x3c: {  	v3 =	vshra.s32 v4, v3  }
0x3d: {  	v3 =	vshll.u32 v3, $0x5  }
0x3e: {  	v3 =	vand.u32 $0x1FE0, v3  }
0x3f: {  	v34 =	vbroadcast v3, $0x0;
	_ =	sdelay $0x1  }
0x40: {  	v5 =	vld [tilespmem:s26+$0xFFFFFF00];
	v6 =	vor.u32 v0, v34  }
0x41: {  	v7 =	vld [tilespmem:s26+$0xFFFFFF10];
	v4 =	vor.u32 v2, v34;
	_ =	sdelay $0x3  }
0x42: {  	v35 =	vbroadcast v3, $0x1;
	[tilespmem:v6+s17+$0x0] =	vst.idx.add.f32.msk $0xffff, v5  }
0x43: {  	[tilespmem:v4+s17+$0x0] =	vst.idx.add.f32.msk $0xffff, v7  }
0x44: {  	v36 =	vor.u32 v0, v35;
	v4 =	vld [tilespmem:s26+$0xFFFFFF20]  }
0x45: {  	v5 =	vor.u32 v2, v35;
	v7 =	vld [tilespmem:s26+$0xFFFFFF30];
	_ =	sdelay $0x3  }
0x46: {  	v37 =	vbroadcast v3, $0x2;
	[tilespmem:v36+s17+$0x0] =	vst.idx.add.f32.msk $0xffff, v4  }
0x47: {  	[tilespmem:v5+s17+$0x0] =	vst.idx.add.f32.msk $0xffff, v7  }
0x48: {  	v38 =	vor.u32 v0, v37;
	v5 =	vld [tilespmem:s26+$0xFFFFFF40]  }
0x49: {  	v4 =	vor.u32 v2, v37;
	v7 =	vld [tilespmem:s26+$0xFFFFFF50];
	_ =	sdelay $0x3  }
0x4a: {  	v39 =	vbroadcast v3, $0x3;
	[tilespmem:v38+s17+$0x0] =	vst.idx.add.f32.msk $0xffff, v5  }
0x4b: {  	[tilespmem:v4+s17+$0x0] =	vst.idx.add.f32.msk $0xffff, v7  }
0x4c: {  	v40 =	vor.u32 v0, v39;
	v4 =	vld [tilespmem:s26+$0xFFFFFF60]  }
0x4d: {  	v5 =	vor.u32 v2, v39;
	v7 =	vld [tilespmem:s26+$0xFFFFFF70];
	_ =	sdelay $0x3  }
0x4e: {  	v41 =	vbroadcast v3, $0x4;
	[tilespmem:v40+s17+$0x0] =	vst.idx.add.f32.msk $0xffff, v4  }
0x4f: {  	[tilespmem:v5+s17+$0x0] =	vst.idx.add.f32.msk $0xffff, v7  }
0x50: {  	v42 =	vor.u32 v0, v41;
	v5 =	vld [tilespmem:s26+$0xFFFFFF80]  }
0x51: {  	v4 =	vor.u32 v2, v41;
	v7 =	vld [tilespmem:s26+$0xFFFFFF90];
	_ =	sdelay $0x3  }
0x52: {  	v43 =	vbroadcast v3, $0x5;
	[tilespmem:v42+s17+$0x0] =	vst.idx.add.f32.msk $0xffff, v5  }
0x53: {  	[tilespmem:v4+s17+$0x0] =	vst.idx.add.f32.msk $0xffff, v7  }
0x54: {  	v44 =	vor.u32 v0, v43;
	v4 =	vld [tilespmem:s26+$0xFFFFFFA0]  }
0x55: {  	v5 =	vor.u32 v2, v43;
	v7 =	vld [tilespmem:s26+$0xFFFFFFB0];
	_ =	sdelay $0x3  }
0x56: {  	v45 =	vbroadcast v3, $0x6;
	[tilespmem:v44+s17+$0x0] =	vst.idx.add.f32.msk $0xffff, v4  }
0x57: {  	[tilespmem:v5+s17+$0x0] =	vst.idx.add.f32.msk $0xffff, v7  }
0x58: {  	v46 =	vor.u32 v0, v45;
	v5 =	vld [tilespmem:s26+$0xFFFFFFC0]  }
0x59: {  	v4 =	vor.u32 v2, v45;
	v7 =	vld [tilespmem:s26+$0xFFFFFFD0];
	_ =	sdelay $0x3  }
0x5a: {  	v47 =	vbroadcast v3, $0x7;
	[tilespmem:v46+s17+$0x0] =	vst.idx.add.f32.msk $0xffff, v5  }
0x5b: {  	[tilespmem:v4+s17+$0x0] =	vst.idx.add.f32.msk $0xffff, v7  }
0x5c: {  	v48 =	vor.u32 v0, v47;
	v4 =	vld [tilespmem:s26+$0xFFFFFFE0]  }
0x5d: {  	v5 =	vor.u32 v2, v47;
	v7 =	vld [tilespmem:s26+$0xFFFFFFF0];
	_ =	sdelay $0x3  }
0x5e: {  	v49 =	vbroadcast v3, $0x8;
	[tilespmem:v48+s17+$0x0] =	vst.idx.add.f32.msk $0xffff, v4  }
0x5f: {  	[tilespmem:v5+s17+$0x0] =	vst.idx.add.f32.msk $0xffff, v7  }
0x60: {  	v50 =	vor.u32 v0, v49;
	v5 =	vld [tilespmem:s26+$0x0]  }
0x61: {  	v4 =	vor.u32 v2, v49;
	v7 =	vld [tilespmem:s26+$0x10];
	_ =	sdelay $0x3  }
0x62: {  	v51 =	vbroadcast v3, $0x9;
	[tilespmem:v50+s17+$0x0] =	vst.idx.add.f32.msk $0xffff, v5  }
0x63: {  	[tilespmem:v4+s17+$0x0] =	vst.idx.add.f32.msk $0xffff, v7  }
0x64: {  	v52 =	vor.u32 v0, v51;
	v4 =	vld [tilespmem:s26+$0x20]  }
0x65: {  	v5 =	vor.u32 v2, v51;
	v7 =	vld [tilespmem:s26+$0x30];
	_ =	sdelay $0x3  }
0x66: {  	v53 =	vbroadcast v3, $0xA;
	[tilespmem:v52+s17+$0x0] =	vst.idx.add.f32.msk $0xffff, v4  }
0x67: {  	[tilespmem:v5+s17+$0x0] =	vst.idx.add.f32.msk $0xffff, v7  }
0x68: {  	v54 =	vor.u32 v0, v53;
	v5 =	vld [tilespmem:s26+$0x40]  }
0x69: {  	v4 =	vor.u32 v2, v53;
	v7 =	vld [tilespmem:s26+$0x50];
	_ =	sdelay $0x3  }
0x6a: {  	v55 =	vbroadcast v3, $0xB;
	[tilespmem:v54+s17+$0x0] =	vst.idx.add.f32.msk $0xffff, v5  }
0x6b: {  	[tilespmem:v4+s17+$0x0] =	vst.idx.add.f32.msk $0xffff, v7  }
0x6c: {  	v56 =	vor.u32 v0, v55;
	v4 =	vld [tilespmem:s26+$0x60]  }
0x6d: {  	v5 =	vor.u32 v2, v55;
	v7 =	vld [tilespmem:s26+$0x70];
	_ =	sdelay $0x3  }
0x6e: {  	v57 =	vbroadcast v3, $0xC;
	[tilespmem:v56+s17+$0x0] =	vst.idx.add.f32.msk $0xffff, v4  }
0x6f: {  	[tilespmem:v5+s17+$0x0] =	vst.idx.add.f32.msk $0xffff, v7  }
0x70: {  	v58 =	vor.u32 v0, v57;
	v5 =	vld [tilespmem:s26+$0x80]  }
0x71: {  	v4 =	vor.u32 v2, v57;
	v7 =	vld [tilespmem:s26+$0x90];
	_ =	sdelay $0x3  }
0x72: {  	v59 =	vbroadcast v3, $0xD;
	[tilespmem:v58+s17+$0x0] =	vst.idx.add.f32.msk $0xffff, v5  }
0x73: {  	[tilespmem:v4+s17+$0x0] =	vst.idx.add.f32.msk $0xffff, v7  }
0x74: {  	v60 =	vor.u32 v0, v59;
	v4 =	vld [tilespmem:s26+$0xA0]  }
0x75: {  	v5 =	vor.u32 v2, v59;
	v7 =	vld [tilespmem:s26+$0xB0];
	_ =	sdelay $0x3  }
0x76: {  	v61 =	vbroadcast v3, $0xE;
	[tilespmem:v60+s17+$0x0] =	vst.idx.add.f32.msk $0xffff, v4  }
0x77: {  	[tilespmem:v5+s17+$0x0] =	vst.idx.add.f32.msk $0xffff, v7  }
0x78: {  	v62 =	vor.u32 v0, v61;
	v5 =	vld [tilespmem:s26+$0xC0]  }
0x79: {  	v4 =	vor.u32 v2, v61;
	v7 =	vld [tilespmem:s26+$0xD0];
	_ =	sdelay $0x3  }
0x7a: {  	v3 =	vbroadcast v3, $0xF;
	[tilespmem:v62+s17+$0x0] =	vst.idx.add.f32.msk $0xffff, v5  }
0x7b: {  	[tilespmem:v4+s17+$0x0] =	vst.idx.add.f32.msk $0xffff, v7  }
0x7c: {  	v63 =	vor.u32 v0, v3;
	v4 =	vld [tilespmem:s26+$0xE0]  }
0x7d: {  	p0 =	sne.s32 s25, $0x9C0;
	v3 =	vor.u32 v2, v3;
	v6 =	vld [tilespmem:s26+$0xF0]  }
.Ltmp6:
0x7e: {  	_ = 	snop;
	(pc) =	sbr.rel @p0 .LBB2_7-.Ltmp6, $3  }
0x7f: {  	_ =	sdelay $0x1  }
0x80: {  	[tilespmem:v63+s17+$0x0] =	vst.idx.add.f32.msk $0xffff, v4  }
0x81: {  	s25 =	sadd.s32 $0x40, s25;
	s26 =	sadd.s32 $0x200, s26;
	[tilespmem:v3+s17+$0x0] =	vst.idx.add.f32.msk $0xffff, v6  }
.Ltmp7:
0x82: {  	_ = 	snop;
	(pc) =	sbr.rel .LBB2_8-.Ltmp7, $1  }
0x83: {  	_ =	sdelay $0x3  }
.LBB2_5:
0x84: {  	s24 =	sshll.u32 s24, $0x5  }
.LBB2_8:
0x85: {  	p0 =	sge.u32 s24, s9  }
.Ltmp8:
0x86: {  	_ = 	snop;
	(pc) =	sbr.rel @p0 .LBB2_11-.Ltmp8, $1  }
0x87: {  	_ =	sdelay $0x3  }
0x88: {  	_ =	swait.ge [sflag:s18], $0x280  }
0x89: {  	s23 =	sadd.s32 s10, s23;
	[sflag:s18] =	ssyncset.done $0x0  }
0x8a: {  	p0 =	sgt.u32 s23, $0x9C3;
	[sflag:s18] =	ssyncadd.s32 $0xFFFFFD80  }
0x8b: {  	s24 =	smul.u32 @!p0 $0x50, s23;
	_ =	swait.ge [sflag:s18], $0x5000  }
0x8c: {  	s25 =	simm.s32 @!p0 $0x0;
	s26 =	simm.s32 @!p0 $0x6200;
	[sflag:s18] =	ssyncset.done $0x0  }
0x8d: {  	s23 =	smul.u32 @!p0 $0xA00, s23;
	s24 =	sadd.s32 @!p0 s3, s24;
	[sflag:s18] =	ssyncadd.s32 $0xFFFFB000  }
0x8e: {  	[tilespmem:s26], [sflag:$0x1] =	stream.linear.gather @!p0 [hbm4b:s24+s25], $0x280, $0x38;
	[tilespmem:$0x12700] =	vst v63  }
0x8f: {  	s23 =	sadd.s32 @!p0 s4, s23;
	s24 =	simm.s32 @!p0 $0x6700  }
0x90: {  	[tilespmem:s24], [sflag:$0x1] =	stream.linear.gather @!p0 [hbm4b:s23+s25], $0x5000, $0x38;
	[tilespmem:$0x12700] =	vst v63  }
0x91: {  	s23 =	simm.s32 $0x0;
	s24 =	simm.s32 $0xB800  }
.LBB2_10:
0x92: {  	s25 =	sshra.s32 s23, $0x2  }
0x93: {  	v3 =	vld [tilespmem:s25+$0x6480];
	_ =	sdelay $0x4  }
0x94: {  	v4 =	vshra.s32 v3, $0x2;
	_ =	sdelay $0x4  }
0x95: {  	v4 =	vld.idx.msk [tilespmem:v4+s1+$0x0], $0xffff;
	_ =	sdelay $0x2  }
0x96: {  	v3 =	vshll.u32 v3, $0x3  }
0x97: {  	v3 =	vand.u32 $0x18, v3  }
0x98: {  	v3 =	vshra.s32 v4, v3  }
0x99: {  	v3 =	vshll.u32 v3, $0x5  }
0x9a: {  	v3 =	vand.u32 $0x1FE0, v3  }
0x9b: {  	v34 =	vbroadcast v3, $0x0;
	_ =	sdelay $0x1  }
0x9c: {  	v5 =	vld [tilespmem:s24+$0xFFFFFF00];
	v6 =	vor.u32 v0, v34  }
0x9d: {  	v7 =	vld [tilespmem:s24+$0xFFFFFF10];
	v4 =	vor.u32 v2, v34;
	_ =	sdelay $0x3  }
0x9e: {  	v35 =	vbroadcast v3, $0x1;
	[tilespmem:v6+s17+$0x0] =	vst.idx.add.f32.msk $0xffff, v5  }
0x9f: {  	[tilespmem:v4+s17+$0x0] =	vst.idx.add.f32.msk $0xffff, v7  }
0xa0: {  	v36 =	vor.u32 v0, v35;
	v4 =	vld [tilespmem:s24+$0xFFFFFF20]  }
0xa1: {  	v5 =	vor.u32 v2, v35;
	v7 =	vld [tilespmem:s24+$0xFFFFFF30];
	_ =	sdelay $0x3  }
0xa2: {  	v37 =	vbroadcast v3, $0x2;
	[tilespmem:v36+s17+$0x0] =	vst.idx.add.f32.msk $0xffff, v4  }
0xa3: {  	[tilespmem:v5+s17+$0x0] =	vst.idx.add.f32.msk $0xffff, v7  }
0xa4: {  	v38 =	vor.u32 v0, v37;
	v5 =	vld [tilespmem:s24+$0xFFFFFF40]  }
0xa5: {  	v4 =	vor.u32 v2, v37;
	v7 =	vld [tilespmem:s24+$0xFFFFFF50];
	_ =	sdelay $0x3  }
0xa6: {  	v39 =	vbroadcast v3, $0x3;
	[tilespmem:v38+s17+$0x0] =	vst.idx.add.f32.msk $0xffff, v5  }
0xa7: {  	[tilespmem:v4+s17+$0x0] =	vst.idx.add.f32.msk $0xffff, v7  }
0xa8: {  	v40 =	vor.u32 v0, v39;
	v4 =	vld [tilespmem:s24+$0xFFFFFF60]  }
0xa9: {  	v5 =	vor.u32 v2, v39;
	v7 =	vld [tilespmem:s24+$0xFFFFFF70];
	_ =	sdelay $0x3  }
0xaa: {  	v41 =	vbroadcast v3, $0x4;
	[tilespmem:v40+s17+$0x0] =	vst.idx.add.f32.msk $0xffff, v4  }
0xab: {  	[tilespmem:v5+s17+$0x0] =	vst.idx.add.f32.msk $0xffff, v7  }
0xac: {  	v42 =	vor.u32 v0, v41;
	v5 =	vld [tilespmem:s24+$0xFFFFFF80]  }
0xad: {  	v4 =	vor.u32 v2, v41;
	v7 =	vld [tilespmem:s24+$0xFFFFFF90];
	_ =	sdelay $0x3  }
0xae: {  	v43 =	vbroadcast v3, $0x5;
	[tilespmem:v42+s17+$0x0] =	vst.idx.add.f32.msk $0xffff, v5  }
0xaf: {  	[tilespmem:v4+s17+$0x0] =	vst.idx.add.f32.msk $0xffff, v7  }
0xb0: {  	v44 =	vor.u32 v0, v43;
	v4 =	vld [tilespmem:s24+$0xFFFFFFA0]  }
0xb1: {  	v5 =	vor.u32 v2, v43;
	v7 =	vld [tilespmem:s24+$0xFFFFFFB0];
	_ =	sdelay $0x3  }
0xb2: {  	v45 =	vbroadcast v3, $0x6;
	[tilespmem:v44+s17+$0x0] =	vst.idx.add.f32.msk $0xffff, v4  }
0xb3: {  	[tilespmem:v5+s17+$0x0] =	vst.idx.add.f32.msk $0xffff, v7  }
0xb4: {  	v46 =	vor.u32 v0, v45;
	v5 =	vld [tilespmem:s24+$0xFFFFFFC0]  }
0xb5: {  	v4 =	vor.u32 v2, v45;
	v7 =	vld [tilespmem:s24+$0xFFFFFFD0];
	_ =	sdelay $0x3  }
0xb6: {  	v47 =	vbroadcast v3, $0x7;
	[tilespmem:v46+s17+$0x0] =	vst.idx.add.f32.msk $0xffff, v5  }
0xb7: {  	[tilespmem:v4+s17+$0x0] =	vst.idx.add.f32.msk $0xffff, v7  }
0xb8: {  	v48 =	vor.u32 v0, v47;
	v4 =	vld [tilespmem:s24+$0xFFFFFFE0]  }
0xb9: {  	v5 =	vor.u32 v2, v47;
	v7 =	vld [tilespmem:s24+$0xFFFFFFF0];
	_ =	sdelay $0x3  }
0xba: {  	v49 =	vbroadcast v3, $0x8;
	[tilespmem:v48+s17+$0x0] =	vst.idx.add.f32.msk $0xffff, v4  }
0xbb: {  	[tilespmem:v5+s17+$0x0] =	vst.idx.add.f32.msk $0xffff, v7  }
0xbc: {  	v50 =	vor.u32 v0, v49;
	v5 =	vld [tilespmem:s24+$0x0]  }
0xbd: {  	v4 =	vor.u32 v2, v49;
	v7 =	vld [tilespmem:s24+$0x10];
	_ =	sdelay $0x3  }
0xbe: {  	v51 =	vbroadcast v3, $0x9;
	[tilespmem:v50+s17+$0x0] =	vst.idx.add.f32.msk $0xffff, v5  }
0xbf: {  	[tilespmem:v4+s17+$0x0] =	vst.idx.add.f32.msk $0xffff, v7  }
0xc0: {  	v52 =	vor.u32 v0, v51;
	v4 =	vld [tilespmem:s24+$0x20]  }
0xc1: {  	v5 =	vor.u32 v2, v51;
	v7 =	vld [tilespmem:s24+$0x30];
	_ =	sdelay $0x3  }
0xc2: {  	v53 =	vbroadcast v3, $0xA;
	[tilespmem:v52+s17+$0x0] =	vst.idx.add.f32.msk $0xffff, v4  }
0xc3: {  	[tilespmem:v5+s17+$0x0] =	vst.idx.add.f32.msk $0xffff, v7  }
0xc4: {  	v54 =	vor.u32 v0, v53;
	v5 =	vld [tilespmem:s24+$0x40]  }
0xc5: {  	v4 =	vor.u32 v2, v53;
	v7 =	vld [tilespmem:s24+$0x50];
	_ =	sdelay $0x3  }
0xc6: {  	v55 =	vbroadcast v3, $0xB;
	[tilespmem:v54+s17+$0x0] =	vst.idx.add.f32.msk $0xffff, v5  }
0xc7: {  	[tilespmem:v4+s17+$0x0] =	vst.idx.add.f32.msk $0xffff, v7  }
0xc8: {  	v56 =	vor.u32 v0, v55;
	v4 =	vld [tilespmem:s24+$0x60]  }
0xc9: {  	v5 =	vor.u32 v2, v55;
	v7 =	vld [tilespmem:s24+$0x70];
	_ =	sdelay $0x3  }
0xca: {  	v57 =	vbroadcast v3, $0xC;
	[tilespmem:v56+s17+$0x0] =	vst.idx.add.f32.msk $0xffff, v4  }
0xcb: {  	[tilespmem:v5+s17+$0x0] =	vst.idx.add.f32.msk $0xffff, v7  }
0xcc: {  	v58 =	vor.u32 v0, v57;
	v5 =	vld [tilespmem:s24+$0x80]  }
0xcd: {  	v4 =	vor.u32 v2, v57;
	v7 =	vld [tilespmem:s24+$0x90];
	_ =	sdelay $0x3  }
0xce: {  	v59 =	vbroadcast v3, $0xD;
	[tilespmem:v58+s17+$0x0] =	vst.idx.add.f32.msk $0xffff, v5  }
0xcf: {  	[tilespmem:v4+s17+$0x0] =	vst.idx.add.f32.msk $0xffff, v7  }
0xd0: {  	v60 =	vor.u32 v0, v59;
	v4 =	vld [tilespmem:s24+$0xA0]  }
0xd1: {  	v5 =	vor.u32 v2, v59;
	v7 =	vld [tilespmem:s24+$0xB0];
	_ =	sdelay $0x3  }
0xd2: {  	v61 =	vbroadcast v3, $0xE;
	[tilespmem:v60+s17+$0x0] =	vst.idx.add.f32.msk $0xffff, v4  }
0xd3: {  	[tilespmem:v5+s17+$0x0] =	vst.idx.add.f32.msk $0xffff, v7  }
0xd4: {  	v62 =	vor.u32 v0, v61;
	v5 =	vld [tilespmem:s24+$0xC0]  }
0xd5: {  	v4 =	vor.u32 v2, v61;
	v7 =	vld [tilespmem:s24+$0xD0];
	_ =	sdelay $0x3  }
0xd6: {  	v3 =	vbroadcast v3, $0xF;
	[tilespmem:v62+s17+$0x0] =	vst.idx.add.f32.msk $0xffff, v5  }
0xd7: {  	[tilespmem:v4+s17+$0x0] =	vst.idx.add.f32.msk $0xffff, v7  }
0xd8: {  	v63 =	vor.u32 v0, v3;
	v4 =	vld [tilespmem:s24+$0xE0]  }
0xd9: {  	p0 =	sne.s32 s23, $0x9C0;
	v3 =	vor.u32 v2, v3;
	v6 =	vld [tilespmem:s24+$0xF0]  }
.Ltmp9:
0xda: {  	_ = 	snop;
	(pc) =	sbr.rel @p0 .LBB2_10-.Ltmp9, $3  }
0xdb: {  	_ =	sdelay $0x1  }
0xdc: {  	[tilespmem:v63+s17+$0x0] =	vst.idx.add.f32.msk $0xffff, v4  }
0xdd: {  	s23 =	sadd.s32 $0x40, s23;
	s24 =	sadd.s32 $0x200, s24;
	[tilespmem:v3+s17+$0x0] =	vst.idx.add.f32.msk $0xffff, v6  }
.Ltmp10:
0xde: {  	_ = 	snop;
	(pc) =	sbr.rel .LBB2_11-.Ltmp10, $1  }
0xdf: {  	_ =	sdelay $0x3  }
.LBB2_13:
0xe0: {  	_ =	sfence.sel $0x180000  }
0xe1: {  	[bflag:$0x0] =	sbarrier.arrive $0xFFFF  }
0xe2: {  	p0 =	sne.s32 s2, $0x0;
	_ =	strace $0x90000047  }
0xe3: {  	s0 =	sadd.s32 @!p0 $0x100000, s0;
	[bflag:$0x2] =	sbarrier.arrive $0xFFFF  }
0xe4: {  	[sflag:s0] =	ssyncadd.tile.s32 @!p0 $0x1;
	_ =	shalt  }
.Lfunc_end2:
_tile_overlayer_lowered:
.L_overlay_start_2:
0xe5: {  	(tag) =	ssettag $0x2  }
0xe6: {  	s0 =	rddreg [dreg:$0x0];
	s2 =	stileid.u32  }
0xe7: {  	s1 =	rddreg [dreg:$0x1];
	p0 =	sne.s32 s2, $0x0  }
0xe8: {  	s3 =	rddreg [dreg:$0x2];
	[bflag:$0x3] =	sbarrier.arrive $0xFFFF;
	s2 =	simm.s32 @!p0 $0x1C03  }
0xe9: {  	[timem:s3], [sflag:s2] =	dma.local @!p0 [hbm:s0], s1  }
0xea: {  	s0 =	simm.s32 @!p0 $0x3  }
0xeb: {  	_ =	swait.ge @!p0 [sflag:s0], s1  }
0xec: {  	s1 =	ssub.s32 @!p0 $0x0, s1;
	[sflag:s0] =	ssyncset.done @!p0 $0x0  }
0xed: {  	[sflag:s0] =	ssyncadd.s32 @!p0 s1  }
0xee: {  	[bflag:$0x3] =	sbarrier.arrive $0xFFFF  }
0xef: {  	_ =	shalt  }

</sc_bundles>
